<compile_context>
chip_gen: v7x
topology: tpu7x:2x2x1
jax: 0.10.2.dev20260603
libtpu: 0.0.44.dev20260713+nightly
codegen_flags: <defaults>
</compile_context>

<pallas_src>
import functools

import jax
import jax.numpy as jnp
from jax import lax
from jax.experimental import pallas as pl
from jax.experimental.pallas import tpu as pltpu
from jax.experimental.pallas import tpu_sc as plsc

N_NODES = 10000
N_EDGES = 640000
D_IN = 116
HIDDEN = 256

NC = 2
NS = 16
CH = 128
K = 160
KS = 40
NST = K // KS
E_PAD = NC * NS * K * CH
NPC = 10496
RPS = NPC // NS
DUMP0 = 10240
DP = 128


def _sc_aggregate(init, srcp, dstp, x):
    mesh = plsc.VectorSubcoreMesh(core_axis_name="c", subcore_axis_name="s")

    @functools.partial(
        pl.kernel,
        out_type=jax.ShapeDtypeStruct((NC, NPC, DP), jnp.float32),
        mesh=mesh,
        scratch_types=[
            pltpu.VMEM((1, 1, KS, CH), jnp.int32),
            pltpu.VMEM((1, 1, KS, CH), jnp.int32),
            pltpu.VMEM((CH, DP), jnp.float32),
            pltpu.VMEM((CH, DP), jnp.float32),
            pltpu.SemaphoreType.DMA,
            pltpu.SemaphoreType.DMA,
            pltpu.VMEM_SHARED((NPC, DP), jnp.float32),
        ],
        compiler_params=pltpu.CompilerParams(use_tc_tiling_on_sc=False),
    )
    def agg_kernel(init_hbm, src_hbm, dst_hbm, x_hbm, out_hbm,
                   sidx, didx, rows0, rows1, sem0, sem1, acc):
        c = lax.axis_index("c")
        s = lax.axis_index("s")
        row0 = s * RPS
        pltpu.sync_copy(init_hbm.at[c, pl.ds(row0, RPS)],
                        acc.at[pl.ds(row0, RPS)])
        plsc.subcore_barrier()
        for st in range(NST):
            pltpu.sync_copy(
                src_hbm.at[pl.ds(c, 1), pl.ds(s, 1), pl.ds(st * KS, KS)],
                sidx)
            pltpu.sync_copy(
                dst_hbm.at[pl.ds(c, 1), pl.ds(s, 1), pl.ds(st * KS, KS)],
                didx)

            def body(i, carry):
                j0 = 2 * i
                j1 = 2 * i + 1
                cp0 = pltpu.async_copy(x_hbm.at[sidx.at[0, 0, j0]], rows0,
                                       sem0)
                cp1 = pltpu.async_copy(x_hbm.at[sidx.at[0, 0, j1]], rows1,
                                       sem1)
                cp0.wait()
                pltpu.sync_copy(rows0, acc.at[didx.at[0, 0, j0]], add=True)
                cp1.wait()
                pltpu.sync_copy(rows1, acc.at[didx.at[0, 0, j1]], add=True)
                return carry

            lax.fori_loop(0, KS // 2, body, 0)
        plsc.subcore_barrier()
        pltpu.sync_copy(acc.at[pl.ds(row0, RPS)],
                        out_hbm.at[c, pl.ds(row0, RPS)])

    return agg_kernel(init, srcp, dstp, x)


def _mlp_body(p_ref, w1_ref, b1_ref, w2_ref, b2_ref, g_ref, bt_ref, o_ref):
    h = p_ref[0, :N_NODES, :] + p_ref[1, :N_NODES, :]
    h1 = jnp.dot(h, w1_ref[:], preferred_element_type=jnp.float32) + b1_ref[:]
    h1 = jnp.maximum(h1, 0.0)
    h2 = jnp.dot(h1, w2_ref[:], preferred_element_type=jnp.float32) + b2_ref[:]
    h2 = jnp.maximum(h2, 0.0)
    mean = jnp.mean(h2, axis=0, keepdims=True)
    cen = h2 - mean
    var = jnp.mean(cen * cen, axis=0, keepdims=True)
    o = cen * lax.rsqrt(var + 1e-5) * g_ref[:] + bt_ref[:]
    o_ref[:] = jnp.maximum(o, 0.0)


def kernel(x, edge_index, W1, b1, W2, b2, gamma, beta):
    src = edge_index[0]
    dst = edge_index[1]
    pad = E_PAD - N_EDGES
    srcp = jnp.concatenate(
        [src, jnp.zeros((pad,), jnp.int32)]).reshape(NC, NS, K, CH)
    dstf = jnp.concatenate([dst, jnp.full((pad,), -1, jnp.int32)])
    spread = DUMP0 + (jnp.arange(E_PAD, dtype=jnp.int32) & 255)
    dstp = jnp.where((dstf >= 0) & (dstf < N_NODES), dstf,
                     spread).astype(jnp.int32).reshape(NC, NS, K, CH)
    xp = jnp.pad(x, ((0, DUMP0 - N_NODES), (0, DP - D_IN)))
    init0 = jnp.pad(xp, ((0, NPC - DUMP0), (0, 0)))
    init = jnp.stack([init0, jnp.zeros_like(init0)])

    partials = _sc_aggregate(init, srcp, dstp, xp)

    w1p = jnp.pad(W1, ((0, DP - D_IN), (0, 0)))
    out = pl.pallas_call(
        _mlp_body,
        out_shape=jax.ShapeDtypeStruct((N_NODES, HIDDEN), jnp.float32),
    )(partials, w1p, b1.reshape(1, HIDDEN), W2, b2.reshape(1, HIDDEN),
      gamma.reshape(1, HIDDEN), beta.reshape(1, HIDDEN))
    return out

# --- scband reference (transcript-rebuilt; emitter-appended) ---
"""Pipeline reference for scband-gin-88648124991287 (READ-ONLY COPY).

The authoritative reference and input builder live on the scoring server;
editing this copy changes nothing except your own understanding.
"""

import jax, jax.numpy as jnp
import numpy as np

N_NODES = 10000
N_EDGES = 640000
D_IN = 116
HIDDEN = 256


def setup_inputs(seed: int = 0) -> dict:
    key = jax.random.key(seed)
    ks = jax.random.split(key, 8)
    x = jax.random.normal(ks[0], (N_NODES, D_IN), dtype=jnp.float32)
    edge_index = jax.random.randint(ks[1], (2, N_EDGES), 0, N_NODES, dtype=jnp.int64 if jax.config.jax_enable_x64 else jnp.int32).astype(jnp.int32)
    # MLP params: Linear(116, hidden), Linear(hidden, hidden), BatchNorm1d(hidden)
    W1 = jax.random.normal(ks[2], (D_IN, HIDDEN), dtype=jnp.float32) * (1.0 / np.sqrt(D_IN))
    b1 = jnp.zeros((HIDDEN,), dtype=jnp.float32)
    W2 = jax.random.normal(ks[3], (HIDDEN, HIDDEN), dtype=jnp.float32) * (1.0 / np.sqrt(HIDDEN))
    b2 = jnp.zeros((HIDDEN,), dtype=jnp.float32)
    gamma = jnp.ones((HIDDEN,), dtype=jnp.float32)
    beta = jnp.zeros((HIDDEN,), dtype=jnp.float32)
    return {"x": x, "edge_index": edge_index, "W1": W1, "b1": b1, "W2": W2, "b2": b2, "gamma": gamma, "beta": beta}


def reference(x, edge_index, W1, b1, W2, b2, gamma, beta):
    # GINConv with eps=0 (train_eps=False): out_i = nn((1+eps)*x_i + sum_{j->i} x_j)
    src = edge_index[0]
    dst = edge_index[1]
    msgs = jnp.take(x, src, axis=0)                         # gather (SparseCore)
    agg = jax.ops.segment_sum(msgs, dst, num_segments=x.shape[0])  # scatter-add
    h = x + agg
    # nn = Linear -> ReLU -> Linear -> ReLU -> BatchNorm1d (training-mode batch stats)
    h = h @ W1 + b1
    h = jax.nn.relu(h)
    h = h @ W2 + b2
    h = jax.nn.relu(h)
    mean = jnp.mean(h, axis=0)
    var = jnp.var(h, axis=0)  # biased variance, matches torch BN training normalization
    h = (h - mean) / jnp.sqrt(var + 1e-5) * gamma + beta
    # outer forward: F.relu
    return jax.nn.relu(h)

if __name__ == "__main__":
    import jax
    _d = setup_inputs()
    print(jax.jit(kernel)(*tuple(_d.values())))

</pallas_src>

<mosaic_0001>
#map = affine_map<(d0, d1) -> (0, 0, 0)>
#map1 = affine_map<(d0, d1) -> (0, 0, 0, 0)>
#map2 = affine_map<(d0, d1) -> (0, 0)>
module attributes {stable_mosaic.version = 14 : i64} {
  func.func @agg_kernel(%arg0: i32, %arg1: i32, %arg2: memref<2x10496x128xf32, #tpu.memory_space<hbm>>, %arg3: memref<2x16x160x128xi32, #tpu.memory_space<hbm>>, %arg4: memref<2x16x160x128xi32, #tpu.memory_space<hbm>>, %arg5: memref<10240x128xf32, #tpu.memory_space<hbm>>, %arg6: memref<2x10496x128xf32, #tpu.memory_space<hbm>>, %arg7: memref<1x1x40x128xi32, #tpu.memory_space<vmem>>, %arg8: memref<1x1x40x128xi32, #tpu.memory_space<vmem>>, %arg9: memref<128x128xf32, #tpu.memory_space<vmem>>, %arg10: memref<128x128xf32, #tpu.memory_space<vmem>>, %arg11: memref<!tpu.dma_semaphore, #tpu.memory_space<semaphore_mem>>, %arg12: memref<!tpu.dma_semaphore, #tpu.memory_space<semaphore_mem>>, %arg13: memref<10496x128xf32, #tpu.memory_space<vmem_shared>>) attributes {dimension_semantics = [#tpu.dimension_semantics<core_parallel>, #tpu.dimension_semantics<subcore_parallel>], iteration_bounds = array<i64: 2, 16>, scalar_prefetch = 0 : i64, scratch_operands = 7 : i64, tpu.core_type = #tpu.core_type<sc_vector_subcore>, window_params = [{transform_indices = #map}, {transform_indices = #map1}, {transform_indices = #map1}, {transform_indices = #map2}, {transform_indices = #map}]} {
    %mul3A = arith.constant 656 : i32
    %mul3A_0 = arith.muli %arg1, %mul3A : i32
    "tpu.region"() ({
      %run_scoped3A = tpu.sem_alloc : memref<!tpu.dma_semaphore, #tpu.memory_space<semaphore_mem>>
      %dma_start3A = arith.constant 0 : i32
      %dma_start3A_25 = tpu.memref_slice %arg13[%mul3A_0, %dma_start3A] : memref<10496x128xf32, #tpu.memory_space<vmem_shared>> -> memref<656x128xf32, #tpu.memory_space<vmem_shared>>
      %dma_start3A_26 = arith.constant 0 : i32
      %dma_start3A_27 = tpu.memref_slice %arg2[%arg0, %mul3A_0, %dma_start3A_26] : memref<2x10496x128xf32, #tpu.memory_space<hbm>> -> memref<1x656x128xf32, #tpu.memory_space<hbm>>
      %dma_start3A_28 = tpu.memref_squeeze %dma_start3A_27 : memref<1x656x128xf32, #tpu.memory_space<hbm>> -> memref<656x128xf32, #tpu.memory_space<hbm>>
      tpu.enqueue_dma source(%dma_start3A_28 : memref<656x128xf32, #tpu.memory_space<hbm>>) target(%dma_start3A_25 : memref<656x128xf32, #tpu.memory_space<vmem_shared>>) target_semaphore(%run_scoped3A : memref<!tpu.dma_semaphore, #tpu.memory_space<semaphore_mem>>)
      %dma_wait3A = arith.constant 0 : i32
      %dma_wait3A_29 = tpu.memref_slice %arg13[%mul3A_0, %dma_wait3A] : memref<10496x128xf32, #tpu.memory_space<vmem_shared>> -> memref<656x128xf32, #tpu.memory_space<vmem_shared>>
      %dma_wait3A_30 = arith.constant 0 : i32
      %dma_wait3A_31 = tpu.memref_slice %arg2[%arg0, %mul3A_0, %dma_wait3A_30] : memref<2x10496x128xf32, #tpu.memory_space<hbm>> -> memref<1x656x128xf32, #tpu.memory_space<hbm>>
      %dma_wait3A_32 = tpu.memref_squeeze %dma_wait3A_31 : memref<1x656x128xf32, #tpu.memory_space<hbm>> -> memref<656x128xf32, #tpu.memory_space<hbm>>
      tpu.wait_dma2 semaphore(%run_scoped3A : memref<!tpu.dma_semaphore, #tpu.memory_space<semaphore_mem>>) src(%dma_wait3A_32 : memref<656x128xf32, #tpu.memory_space<hbm>>) dst(%dma_wait3A_29 : memref<656x128xf32, #tpu.memory_space<vmem_shared>>)
      tpu.yield
    }) : () -> ()
    %barrier3A = arith.constant 0 : index
    tpu.barrier barrier_id(%barrier3A)
    "tpu.region"() ({
      %run_scoped3A = tpu.sem_alloc : memref<!tpu.dma_semaphore, #tpu.memory_space<semaphore_mem>>
      %dma_start3A = arith.constant 0 : i32
      %dma_start3A_25 = arith.constant 0 : i32
      %dma_start3A_26 = tpu.memref_slice %arg3[%arg0, %arg1, %dma_start3A, %dma_start3A_25] : memref<2x16x160x128xi32, #tpu.memory_space<hbm>> -> memref<1x1x40x128xi32, #tpu.memory_space<hbm>>
      %dma_start3A_27 = arith.constant 0 : i32
      %dma_start3A_28 = arith.constant 0 : i32
      %dma_start3A_29 = tpu.memref_slice %arg3[%arg0, %arg1, %dma_start3A_27, %dma_start3A_28] : memref<2x16x160x128xi32, #tpu.memory_space<hbm>> -> memref<1x1x40x128xi32, #tpu.memory_space<hbm>>
      tpu.enqueue_dma source(%dma_start3A_29 : memref<1x1x40x128xi32, #tpu.memory_space<hbm>>) target(%arg7 : memref<1x1x40x128xi32, #tpu.memory_space<vmem>>) target_semaphore(%run_scoped3A : memref<!tpu.dma_semaphore, #tpu.memory_space<semaphore_mem>>)
      %dma_wait3A = arith.constant 0 : i32
      %dma_wait3A_30 = arith.constant 0 : i32
      %dma_wait3A_31 = tpu.memref_slice %arg3[%arg0, %arg1, %dma_wait3A, %dma_wait3A_30] : memref<2x16x160x128xi32, #tpu.memory_space<hbm>> -> memref<1x1x40x128xi32, #tpu.memory_space<hbm>>
      %dma_wait3A_32 = arith.constant 0 : i32
      %dma_wait3A_33 = arith.constant 0 : i32
      %dma_wait3A_34 = tpu.memref_slice %arg3[%arg0, %arg1, %dma_wait3A_32, %dma_wait3A_33] : memref<2x16x160x128xi32, #tpu.memory_space<hbm>> -> memref<1x1x40x128xi32, #tpu.memory_space<hbm>>
      tpu.wait_dma2 semaphore(%run_scoped3A : memref<!tpu.dma_semaphore, #tpu.memory_space<semaphore_mem>>) src(%dma_wait3A_34 : memref<1x1x40x128xi32, #tpu.memory_space<hbm>>) dst(%arg7 : memref<1x1x40x128xi32, #tpu.memory_space<vmem>>)
      tpu.yield
    }) : () -> ()
    "tpu.region"() ({
      %run_scoped3A = tpu.sem_alloc : memref<!tpu.dma_semaphore, #tpu.memory_space<semaphore_mem>>
      %dma_start3A = arith.constant 0 : i32
      %dma_start3A_25 = arith.constant 0 : i32
      %dma_start3A_26 = tpu.memref_slice %arg4[%arg0, %arg1, %dma_start3A, %dma_start3A_25] : memref<2x16x160x128xi32, #tpu.memory_space<hbm>> -> memref<1x1x40x128xi32, #tpu.memory_space<hbm>>
      %dma_start3A_27 = arith.constant 0 : i32
      %dma_start3A_28 = arith.constant 0 : i32
      %dma_start3A_29 = tpu.memref_slice %arg4[%arg0, %arg1, %dma_start3A_27, %dma_start3A_28] : memref<2x16x160x128xi32, #tpu.memory_space<hbm>> -> memref<1x1x40x128xi32, #tpu.memory_space<hbm>>
      tpu.enqueue_dma source(%dma_start3A_29 : memref<1x1x40x128xi32, #tpu.memory_space<hbm>>) target(%arg8 : memref<1x1x40x128xi32, #tpu.memory_space<vmem>>) target_semaphore(%run_scoped3A : memref<!tpu.dma_semaphore, #tpu.memory_space<semaphore_mem>>)
      %dma_wait3A = arith.constant 0 : i32
      %dma_wait3A_30 = arith.constant 0 : i32
      %dma_wait3A_31 = tpu.memref_slice %arg4[%arg0, %arg1, %dma_wait3A, %dma_wait3A_30] : memref<2x16x160x128xi32, #tpu.memory_space<hbm>> -> memref<1x1x40x128xi32, #tpu.memory_space<hbm>>
      %dma_wait3A_32 = arith.constant 0 : i32
      %dma_wait3A_33 = arith.constant 0 : i32
      %dma_wait3A_34 = tpu.memref_slice %arg4[%arg0, %arg1, %dma_wait3A_32, %dma_wait3A_33] : memref<2x16x160x128xi32, #tpu.memory_space<hbm>> -> memref<1x1x40x128xi32, #tpu.memory_space<hbm>>
      tpu.wait_dma2 semaphore(%run_scoped3A : memref<!tpu.dma_semaphore, #tpu.memory_space<semaphore_mem>>) src(%dma_wait3A_34 : memref<1x1x40x128xi32, #tpu.memory_space<hbm>>) dst(%arg8 : memref<1x1x40x128xi32, #tpu.memory_space<vmem>>)
      tpu.yield
    }) : () -> ()
    %scan3A = arith.constant 0 : i32
    %scan3A_1 = arith.constant 0 : i32
    %scan3A_2 = arith.constant 20 : i32
    %scan3A_3 = arith.addi %scan3A_1, %scan3A_2 : i32
    %scan3A_4 = arith.constant 1 : i32
    scf.for %scan3A_25 = %scan3A_1 to %scan3A_3 step %scan3A_4  : i32 {
      %mul3A_26 = arith.constant 2 : i32
      %mul3A_27 = arith.muli %mul3A_26, %scan3A_25 : i32
      %mul3A_28 = arith.constant 2 : i32
      %mul3A_29 = arith.muli %mul3A_28, %scan3A_25 : i32
      %add3A = arith.constant 1 : i32
      %add3A_30 = arith.addi %mul3A_29, %add3A : i32
      %dma_start3A = arith.constant 0 : i32
      %dma_start3A_31 = arith.constant 0 : i32
      %dma_start3A_32 = arith.constant 0 : i32
      %dma_start3A_33 = tpu.memref_slice %arg7[%dma_start3A, %dma_start3A_31, %mul3A_27, %dma_start3A_32] : memref<1x1x40x128xi32, #tpu.memory_space<vmem>> -> memref<1x1x1x128xi32, #tpu.memory_space<vmem>>
      %dma_start3A_34 = tpu.memref_squeeze %dma_start3A_33 : memref<1x1x1x128xi32, #tpu.memory_space<vmem>> -> memref<128xi32, #tpu.memory_space<vmem>>
      %dma_start3A_35 = arith.constant 0 : i32
      %dma_start3A_36 = arith.constant 0 : i32
      %dma_start3A_37 = tpu.memref_slice %arg5[%dma_start3A_35, %dma_start3A_36] : memref<10240x128xf32, #tpu.memory_space<hbm>> -> memref<10240x128xf32, #tpu.memory_space<hbm>>
      tpu.enqueue_indirect_dma source(%dma_start3A_37 : memref<10240x128xf32, #tpu.memory_space<hbm>>) target(%arg9 : memref<128x128xf32, #tpu.memory_space<vmem>>) offsets(%dma_start3A_34 : memref<128xi32, #tpu.memory_space<vmem>>) semaphore(%arg11 : memref<!tpu.dma_semaphore, #tpu.memory_space<semaphore_mem>>)
      %dma_start3A_38 = arith.constant 0 : i32
      %dma_start3A_39 = arith.constant 0 : i32
      %dma_start3A_40 = arith.constant 0 : i32
      %dma_start3A_41 = tpu.memref_slice %arg7[%dma_start3A_38, %dma_start3A_39, %add3A_30, %dma_start3A_40] : memref<1x1x40x128xi32, #tpu.memory_space<vmem>> -> memref<1x1x1x128xi32, #tpu.memory_space<vmem>>
      %dma_start3A_42 = tpu.memref_squeeze %dma_start3A_41 : memref<1x1x1x128xi32, #tpu.memory_space<vmem>> -> memref<128xi32, #tpu.memory_space<vmem>>
      %dma_start3A_43 = arith.constant 0 : i32
      %dma_start3A_44 = arith.constant 0 : i32
      %dma_start3A_45 = tpu.memref_slice %arg5[%dma_start3A_43, %dma_start3A_44] : memref<10240x128xf32, #tpu.memory_space<hbm>> -> memref<10240x128xf32, #tpu.memory_space<hbm>>
      tpu.enqueue_indirect_dma source(%dma_start3A_45 : memref<10240x128xf32, #tpu.memory_space<hbm>>) target(%arg10 : memref<128x128xf32, #tpu.memory_space<vmem>>) offsets(%dma_start3A_42 : memref<128xi32, #tpu.memory_space<vmem>>) semaphore(%arg12 : memref<!tpu.dma_semaphore, #tpu.memory_space<semaphore_mem>>)
      %dma_wait3A = arith.constant 0 : i32
      %dma_wait3A_46 = arith.constant 0 : i32
      %dma_wait3A_47 = arith.constant 0 : i32
      %dma_wait3A_48 = tpu.memref_slice %arg7[%dma_wait3A, %dma_wait3A_46, %mul3A_27, %dma_wait3A_47] : memref<1x1x40x128xi32, #tpu.memory_space<vmem>> -> memref<1x1x1x128xi32, #tpu.memory_space<vmem>>
      %dma_wait3A_49 = tpu.memref_squeeze %dma_wait3A_48 : memref<1x1x1x128xi32, #tpu.memory_space<vmem>> -> memref<128xi32, #tpu.memory_space<vmem>>
      %dma_wait3A_50 = arith.constant 0 : i32
      %dma_wait3A_51 = arith.constant 0 : i32
      %dma_wait3A_52 = tpu.memref_slice %arg5[%dma_wait3A_50, %dma_wait3A_51] : memref<10240x128xf32, #tpu.memory_space<hbm>> -> memref<10240x128xf32, #tpu.memory_space<hbm>>
      tpu.wait_indirect_dma semaphore(%arg11 : memref<!tpu.dma_semaphore, #tpu.memory_space<semaphore_mem>>) src(%dma_wait3A_52 : memref<10240x128xf32, #tpu.memory_space<hbm>>) dst(%arg9 : memref<128x128xf32, #tpu.memory_space<vmem>>)
      %run_scoped3A = arith.constant 0 : i32
      %run_scoped3A_53 = arith.constant 0 : i32
      "tpu.region"() ({
        %run_scoped3A_64 = tpu.sem_alloc : memref<!tpu.dma_semaphore, #tpu.memory_space<semaphore_mem>>
        %dma_start3A_65 = arith.constant 0 : i32
        %dma_start3A_66 = tpu.memref_slice %arg8[%run_scoped3A, %run_scoped3A_53, %mul3A_27, %dma_start3A_65] : memref<1x1x40x128xi32, #tpu.memory_space<vmem>> -> memref<1x1x1x128xi32, #tpu.memory_space<vmem>>
        %dma_start3A_67 = tpu.memref_squeeze %dma_start3A_66 : memref<1x1x1x128xi32, #tpu.memory_space<vmem>> -> memref<128xi32, #tpu.memory_space<vmem>>
        %dma_start3A_68 = arith.constant 0 : i32
        %dma_start3A_69 = arith.constant 0 : i32
        %dma_start3A_70 = tpu.memref_slice %arg13[%dma_start3A_68, %dma_start3A_69] : memref<10496x128xf32, #tpu.memory_space<vmem_shared>> -> memref<10496x128xf32, #tpu.memory_space<vmem_shared>>
        tpu.enqueue_indirect_dma source(%arg9 : memref<128x128xf32, #tpu.memory_space<vmem>>) target(%dma_start3A_70 : memref<10496x128xf32, #tpu.memory_space<vmem_shared>>) offsets(%dma_start3A_67 : memref<128xi32, #tpu.memory_space<vmem>>) semaphore(%run_scoped3A_64 : memref<!tpu.dma_semaphore, #tpu.memory_space<semaphore_mem>>) {add = true}
        %dma_wait3A_71 = arith.constant 0 : i32
        %dma_wait3A_72 = tpu.memref_slice %arg8[%run_scoped3A, %run_scoped3A_53, %mul3A_27, %dma_wait3A_71] : memref<1x1x40x128xi32, #tpu.memory_space<vmem>> -> memref<1x1x1x128xi32, #tpu.memory_space<vmem>>
        %dma_wait3A_73 = tpu.memref_squeeze %dma_wait3A_72 : memref<1x1x1x128xi32, #tpu.memory_space<vmem>> -> memref<128xi32, #tpu.memory_space<vmem>>
        %dma_wait3A_74 = arith.constant 0 : i32
        %dma_wait3A_75 = arith.constant 0 : i32
        %dma_wait3A_76 = tpu.memref_slice %arg13[%dma_wait3A_74, %dma_wait3A_75] : memref<10496x128xf32, #tpu.memory_space<vmem_shared>> -> memref<10496x128xf32, #tpu.memory_space<vmem_shared>>
        tpu.wait_indirect_dma semaphore(%run_scoped3A_64 : memref<!tpu.dma_semaphore, #tpu.memory_space<semaphore_mem>>) src(%arg9 : memref<128x128xf32, #tpu.memory_space<vmem>>) dst(%dma_wait3A_76 : memref<10496x128xf32, #tpu.memory_space<vmem_shared>>)
        tpu.yield
      }) : () -> ()
      %dma_wait3A_54 = arith.constant 0 : i32
      %dma_wait3A_55 = arith.constant 0 : i32
      %dma_wait3A_56 = arith.constant 0 : i32
      %dma_wait3A_57 = tpu.memref_slice %arg7[%dma_wait3A_54, %dma_wait3A_55, %add3A_30, %dma_wait3A_56] : memref<1x1x40x128xi32, #tpu.memory_space<vmem>> -> memref<1x1x1x128xi32, #tpu.memory_space<vmem>>
      %dma_wait3A_58 = tpu.memref_squeeze %dma_wait3A_57 : memref<1x1x1x128xi32, #tpu.memory_space<vmem>> -> memref<128xi32, #tpu.memory_space<vmem>>
      %dma_wait3A_59 = arith.constant 0 : i32
      %dma_wait3A_60 = arith.constant 0 : i32
      %dma_wait3A_61 = tpu.memref_slice %arg5[%dma_wait3A_59, %dma_wait3A_60] : memref<10240x128xf32, #tpu.memory_space<hbm>> -> memref<10240x128xf32, #tpu.memory_space<hbm>>
      tpu.wait_indirect_dma semaphore(%arg12 : memref<!tpu.dma_semaphore, #tpu.memory_space<semaphore_mem>>) src(%dma_wait3A_61 : memref<10240x128xf32, #tpu.memory_space<hbm>>) dst(%arg10 : memref<128x128xf32, #tpu.memory_space<vmem>>)
      %run_scoped3A_62 = arith.constant 0 : i32
      %run_scoped3A_63 = arith.constant 0 : i32
      "tpu.region"() ({
        %run_scoped3A_64 = tpu.sem_alloc : memref<!tpu.dma_semaphore, #tpu.memory_space<semaphore_mem>>
        %dma_start3A_65 = arith.constant 0 : i32
        %dma_start3A_66 = tpu.memref_slice %arg8[%run_scoped3A_62, %run_scoped3A_63, %add3A_30, %dma_start3A_65] : memref<1x1x40x128xi32, #tpu.memory_space<vmem>> -> memref<1x1x1x128xi32, #tpu.memory_space<vmem>>
        %dma_start3A_67 = tpu.memref_squeeze %dma_start3A_66 : memref<1x1x1x128xi32, #tpu.memory_space<vmem>> -> memref<128xi32, #tpu.memory_space<vmem>>
        %dma_start3A_68 = arith.constant 0 : i32
        %dma_start3A_69 = arith.constant 0 : i32
        %dma_start3A_70 = tpu.memref_slice %arg13[%dma_start3A_68, %dma_start3A_69] : memref<10496x128xf32, #tpu.memory_space<vmem_shared>> -> memref<10496x128xf32, #tpu.memory_space<vmem_shared>>
        tpu.enqueue_indirect_dma source(%arg10 : memref<128x128xf32, #tpu.memory_space<vmem>>) target(%dma_start3A_70 : memref<10496x128xf32, #tpu.memory_space<vmem_shared>>) offsets(%dma_start3A_67 : memref<128xi32, #tpu.memory_space<vmem>>) semaphore(%run_scoped3A_64 : memref<!tpu.dma_semaphore, #tpu.memory_space<semaphore_mem>>) {add = true}
        %dma_wait3A_71 = arith.constant 0 : i32
        %dma_wait3A_72 = tpu.memref_slice %arg8[%run_scoped3A_62, %run_scoped3A_63, %add3A_30, %dma_wait3A_71] : memref<1x1x40x128xi32, #tpu.memory_space<vmem>> -> memref<1x1x1x128xi32, #tpu.memory_space<vmem>>
        %dma_wait3A_73 = tpu.memref_squeeze %dma_wait3A_72 : memref<1x1x1x128xi32, #tpu.memory_space<vmem>> -> memref<128xi32, #tpu.memory_space<vmem>>
        %dma_wait3A_74 = arith.constant 0 : i32
        %dma_wait3A_75 = arith.constant 0 : i32
        %dma_wait3A_76 = tpu.memref_slice %arg13[%dma_wait3A_74, %dma_wait3A_75] : memref<10496x128xf32, #tpu.memory_space<vmem_shared>> -> memref<10496x128xf32, #tpu.memory_space<vmem_shared>>
        tpu.wait_indirect_dma semaphore(%run_scoped3A_64 : memref<!tpu.dma_semaphore, #tpu.memory_space<semaphore_mem>>) src(%arg10 : memref<128x128xf32, #tpu.memory_space<vmem>>) dst(%dma_wait3A_76 : memref<10496x128xf32, #tpu.memory_space<vmem_shared>>)
        tpu.yield
      }) : () -> ()
    }
    %scan3A_5 = arith.constant 20 : i32
    "tpu.region"() ({
      %run_scoped3A = tpu.sem_alloc : memref<!tpu.dma_semaphore, #tpu.memory_space<semaphore_mem>>
      %dma_start3A = arith.constant 40 : i32
      %dma_start3A_25 = arith.constant 0 : i32
      %dma_start3A_26 = tpu.memref_slice %arg3[%arg0, %arg1, %dma_start3A, %dma_start3A_25] : memref<2x16x160x128xi32, #tpu.memory_space<hbm>> -> memref<1x1x40x128xi32, #tpu.memory_space<hbm>>
      %dma_start3A_27 = arith.constant 40 : i32
      %dma_start3A_28 = arith.constant 0 : i32
      %dma_start3A_29 = tpu.memref_slice %arg3[%arg0, %arg1, %dma_start3A_27, %dma_start3A_28] : memref<2x16x160x128xi32, #tpu.memory_space<hbm>> -> memref<1x1x40x128xi32, #tpu.memory_space<hbm>>
      tpu.enqueue_dma source(%dma_start3A_29 : memref<1x1x40x128xi32, #tpu.memory_space<hbm>>) target(%arg7 : memref<1x1x40x128xi32, #tpu.memory_space<vmem>>) target_semaphore(%run_scoped3A : memref<!tpu.dma_semaphore, #tpu.memory_space<semaphore_mem>>)
      %dma_wait3A = arith.constant 40 : i32
      %dma_wait3A_30 = arith.constant 0 : i32
      %dma_wait3A_31 = tpu.memref_slice %arg3[%arg0, %arg1, %dma_wait3A, %dma_wait3A_30] : memref<2x16x160x128xi32, #tpu.memory_space<hbm>> -> memref<1x1x40x128xi32, #tpu.memory_space<hbm>>
      %dma_wait3A_32 = arith.constant 40 : i32
      %dma_wait3A_33 = arith.constant 0 : i32
      %dma_wait3A_34 = tpu.memref_slice %arg3[%arg0, %arg1, %dma_wait3A_32, %dma_wait3A_33] : memref<2x16x160x128xi32, #tpu.memory_space<hbm>> -> memref<1x1x40x128xi32, #tpu.memory_space<hbm>>
      tpu.wait_dma2 semaphore(%run_scoped3A : memref<!tpu.dma_semaphore, #tpu.memory_space<semaphore_mem>>) src(%dma_wait3A_34 : memref<1x1x40x128xi32, #tpu.memory_space<hbm>>) dst(%arg7 : memref<1x1x40x128xi32, #tpu.memory_space<vmem>>)
      tpu.yield
    }) : () -> ()
    "tpu.region"() ({
      %run_scoped3A = tpu.sem_alloc : memref<!tpu.dma_semaphore, #tpu.memory_space<semaphore_mem>>
      %dma_start3A = arith.constant 40 : i32
      %dma_start3A_25 = arith.constant 0 : i32
      %dma_start3A_26 = tpu.memref_slice %arg4[%arg0, %arg1, %dma_start3A, %dma_start3A_25] : memref<2x16x160x128xi32, #tpu.memory_space<hbm>> -> memref<1x1x40x128xi32, #tpu.memory_space<hbm>>
      %dma_start3A_27 = arith.constant 40 : i32
      %dma_start3A_28 = arith.constant 0 : i32
      %dma_start3A_29 = tpu.memref_slice %arg4[%arg0, %arg1, %dma_start3A_27, %dma_start3A_28] : memref<2x16x160x128xi32, #tpu.memory_space<hbm>> -> memref<1x1x40x128xi32, #tpu.memory_space<hbm>>
      tpu.enqueue_dma source(%dma_start3A_29 : memref<1x1x40x128xi32, #tpu.memory_space<hbm>>) target(%arg8 : memref<1x1x40x128xi32, #tpu.memory_space<vmem>>) target_semaphore(%run_scoped3A : memref<!tpu.dma_semaphore, #tpu.memory_space<semaphore_mem>>)
      %dma_wait3A = arith.constant 40 : i32
      %dma_wait3A_30 = arith.constant 0 : i32
      %dma_wait3A_31 = tpu.memref_slice %arg4[%arg0, %arg1, %dma_wait3A, %dma_wait3A_30] : memref<2x16x160x128xi32, #tpu.memory_space<hbm>> -> memref<1x1x40x128xi32, #tpu.memory_space<hbm>>
      %dma_wait3A_32 = arith.constant 40 : i32
      %dma_wait3A_33 = arith.constant 0 : i32
      %dma_wait3A_34 = tpu.memref_slice %arg4[%arg0, %arg1, %dma_wait3A_32, %dma_wait3A_33] : memref<2x16x160x128xi32, #tpu.memory_space<hbm>> -> memref<1x1x40x128xi32, #tpu.memory_space<hbm>>
      tpu.wait_dma2 semaphore(%run_scoped3A : memref<!tpu.dma_semaphore, #tpu.memory_space<semaphore_mem>>) src(%dma_wait3A_34 : memref<1x1x40x128xi32, #tpu.memory_space<hbm>>) dst(%arg8 : memref<1x1x40x128xi32, #tpu.memory_space<vmem>>)
      tpu.yield
    }) : () -> ()
    %scan3A_6 = arith.constant 0 : i32
    %scan3A_7 = arith.constant 0 : i32
    %scan3A_8 = arith.constant 20 : i32
    %scan3A_9 = arith.addi %scan3A_7, %scan3A_8 : i32
    %scan3A_10 = arith.constant 1 : i32
    scf.for %scan3A_25 = %scan3A_7 to %scan3A_9 step %scan3A_10  : i32 {
      %mul3A_26 = arith.constant 2 : i32
      %mul3A_27 = arith.muli %mul3A_26, %scan3A_25 : i32
      %mul3A_28 = arith.constant 2 : i32
      %mul3A_29 = arith.muli %mul3A_28, %scan3A_25 : i32
      %add3A = arith.constant 1 : i32
      %add3A_30 = arith.addi %mul3A_29, %add3A : i32
      %dma_start3A = arith.constant 0 : i32
      %dma_start3A_31 = arith.constant 0 : i32
      %dma_start3A_32 = arith.constant 0 : i32
      %dma_start3A_33 = tpu.memref_slice %arg7[%dma_start3A, %dma_start3A_31, %mul3A_27, %dma_start3A_32] : memref<1x1x40x128xi32, #tpu.memory_space<vmem>> -> memref<1x1x1x128xi32, #tpu.memory_space<vmem>>
      %dma_start3A_34 = tpu.memref_squeeze %dma_start3A_33 : memref<1x1x1x128xi32, #tpu.memory_space<vmem>> -> memref<128xi32, #tpu.memory_space<vmem>>
      %dma_start3A_35 = arith.constant 0 : i32
      %dma_start3A_36 = arith.constant 0 : i32
      %dma_start3A_37 = tpu.memref_slice %arg5[%dma_start3A_35, %dma_start3A_36] : memref<10240x128xf32, #tpu.memory_space<hbm>> -> memref<10240x128xf32, #tpu.memory_space<hbm>>
      tpu.enqueue_indirect_dma source(%dma_start3A_37 : memref<10240x128xf32, #tpu.memory_space<hbm>>) target(%arg9 : memref<128x128xf32, #tpu.memory_space<vmem>>) offsets(%dma_start3A_34 : memref<128xi32, #tpu.memory_space<vmem>>) semaphore(%arg11 : memref<!tpu.dma_semaphore, #tpu.memory_space<semaphore_mem>>)
      %dma_start3A_38 = arith.constant 0 : i32
      %dma_start3A_39 = arith.constant 0 : i32
      %dma_start3A_40 = arith.constant 0 : i32
      %dma_start3A_41 = tpu.memref_slice %arg7[%dma_start3A_38, %dma_start3A_39, %add3A_30, %dma_start3A_40] : memref<1x1x40x128xi32, #tpu.memory_space<vmem>> -> memref<1x1x1x128xi32, #tpu.memory_space<vmem>>
      %dma_start3A_42 = tpu.memref_squeeze %dma_start3A_41 : memref<1x1x1x128xi32, #tpu.memory_space<vmem>> -> memref<128xi32, #tpu.memory_space<vmem>>
      %dma_start3A_43 = arith.constant 0 : i32
      %dma_start3A_44 = arith.constant 0 : i32
      %dma_start3A_45 = tpu.memref_slice %arg5[%dma_start3A_43, %dma_start3A_44] : memref<10240x128xf32, #tpu.memory_space<hbm>> -> memref<10240x128xf32, #tpu.memory_space<hbm>>
      tpu.enqueue_indirect_dma source(%dma_start3A_45 : memref<10240x128xf32, #tpu.memory_space<hbm>>) target(%arg10 : memref<128x128xf32, #tpu.memory_space<vmem>>) offsets(%dma_start3A_42 : memref<128xi32, #tpu.memory_space<vmem>>) semaphore(%arg12 : memref<!tpu.dma_semaphore, #tpu.memory_space<semaphore_mem>>)
      %dma_wait3A = arith.constant 0 : i32
      %dma_wait3A_46 = arith.constant 0 : i32
      %dma_wait3A_47 = arith.constant 0 : i32
      %dma_wait3A_48 = tpu.memref_slice %arg7[%dma_wait3A, %dma_wait3A_46, %mul3A_27, %dma_wait3A_47] : memref<1x1x40x128xi32, #tpu.memory_space<vmem>> -> memref<1x1x1x128xi32, #tpu.memory_space<vmem>>
      %dma_wait3A_49 = tpu.memref_squeeze %dma_wait3A_48 : memref<1x1x1x128xi32, #tpu.memory_space<vmem>> -> memref<128xi32, #tpu.memory_space<vmem>>
      %dma_wait3A_50 = arith.constant 0 : i32
      %dma_wait3A_51 = arith.constant 0 : i32
      %dma_wait3A_52 = tpu.memref_slice %arg5[%dma_wait3A_50, %dma_wait3A_51] : memref<10240x128xf32, #tpu.memory_space<hbm>> -> memref<10240x128xf32, #tpu.memory_space<hbm>>
      tpu.wait_indirect_dma semaphore(%arg11 : memref<!tpu.dma_semaphore, #tpu.memory_space<semaphore_mem>>) src(%dma_wait3A_52 : memref<10240x128xf32, #tpu.memory_space<hbm>>) dst(%arg9 : memref<128x128xf32, #tpu.memory_space<vmem>>)
      %run_scoped3A = arith.constant 0 : i32
      %run_scoped3A_53 = arith.constant 0 : i32
      "tpu.region"() ({
        %run_scoped3A_64 = tpu.sem_alloc : memref<!tpu.dma_semaphore, #tpu.memory_space<semaphore_mem>>
        %dma_start3A_65 = arith.constant 0 : i32
        %dma_start3A_66 = tpu.memref_slice %arg8[%run_scoped3A, %run_scoped3A_53, %mul3A_27, %dma_start3A_65] : memref<1x1x40x128xi32, #tpu.memory_space<vmem>> -> memref<1x1x1x128xi32, #tpu.memory_space<vmem>>
        %dma_start3A_67 = tpu.memref_squeeze %dma_start3A_66 : memref<1x1x1x128xi32, #tpu.memory_space<vmem>> -> memref<128xi32, #tpu.memory_space<vmem>>
        %dma_start3A_68 = arith.constant 0 : i32
        %dma_start3A_69 = arith.constant 0 : i32
        %dma_start3A_70 = tpu.memref_slice %arg13[%dma_start3A_68, %dma_start3A_69] : memref<10496x128xf32, #tpu.memory_space<vmem_shared>> -> memref<10496x128xf32, #tpu.memory_space<vmem_shared>>
        tpu.enqueue_indirect_dma source(%arg9 : memref<128x128xf32, #tpu.memory_space<vmem>>) target(%dma_start3A_70 : memref<10496x128xf32, #tpu.memory_space<vmem_shared>>) offsets(%dma_start3A_67 : memref<128xi32, #tpu.memory_space<vmem>>) semaphore(%run_scoped3A_64 : memref<!tpu.dma_semaphore, #tpu.memory_space<semaphore_mem>>) {add = true}
        %dma_wait3A_71 = arith.constant 0 : i32
        %dma_wait3A_72 = tpu.memref_slice %arg8[%run_scoped3A, %run_scoped3A_53, %mul3A_27, %dma_wait3A_71] : memref<1x1x40x128xi32, #tpu.memory_space<vmem>> -> memref<1x1x1x128xi32, #tpu.memory_space<vmem>>
        %dma_wait3A_73 = tpu.memref_squeeze %dma_wait3A_72 : memref<1x1x1x128xi32, #tpu.memory_space<vmem>> -> memref<128xi32, #tpu.memory_space<vmem>>
        %dma_wait3A_74 = arith.constant 0 : i32
        %dma_wait3A_75 = arith.constant 0 : i32
        %dma_wait3A_76 = tpu.memref_slice %arg13[%dma_wait3A_74, %dma_wait3A_75] : memref<10496x128xf32, #tpu.memory_space<vmem_shared>> -> memref<10496x128xf32, #tpu.memory_space<vmem_shared>>
        tpu.wait_indirect_dma semaphore(%run_scoped3A_64 : memref<!tpu.dma_semaphore, #tpu.memory_space<semaphore_mem>>) src(%arg9 : memref<128x128xf32, #tpu.memory_space<vmem>>) dst(%dma_wait3A_76 : memref<10496x128xf32, #tpu.memory_space<vmem_shared>>)
        tpu.yield
      }) : () -> ()
      %dma_wait3A_54 = arith.constant 0 : i32
      %dma_wait3A_55 = arith.constant 0 : i32
      %dma_wait3A_56 = arith.constant 0 : i32
      %dma_wait3A_57 = tpu.memref_slice %arg7[%dma_wait3A_54, %dma_wait3A_55, %add3A_30, %dma_wait3A_56] : memref<1x1x40x128xi32, #tpu.memory_space<vmem>> -> memref<1x1x1x128xi32, #tpu.memory_space<vmem>>
      %dma_wait3A_58 = tpu.memref_squeeze %dma_wait3A_57 : memref<1x1x1x128xi32, #tpu.memory_space<vmem>> -> memref<128xi32, #tpu.memory_space<vmem>>
      %dma_wait3A_59 = arith.constant 0 : i32
      %dma_wait3A_60 = arith.constant 0 : i32
      %dma_wait3A_61 = tpu.memref_slice %arg5[%dma_wait3A_59, %dma_wait3A_60] : memref<10240x128xf32, #tpu.memory_space<hbm>> -> memref<10240x128xf32, #tpu.memory_space<hbm>>
      tpu.wait_indirect_dma semaphore(%arg12 : memref<!tpu.dma_semaphore, #tpu.memory_space<semaphore_mem>>) src(%dma_wait3A_61 : memref<10240x128xf32, #tpu.memory_space<hbm>>) dst(%arg10 : memref<128x128xf32, #tpu.memory_space<vmem>>)
      %run_scoped3A_62 = arith.constant 0 : i32
      %run_scoped3A_63 = arith.constant 0 : i32
      "tpu.region"() ({
        %run_scoped3A_64 = tpu.sem_alloc : memref<!tpu.dma_semaphore, #tpu.memory_space<semaphore_mem>>
        %dma_start3A_65 = arith.constant 0 : i32
        %dma_start3A_66 = tpu.memref_slice %arg8[%run_scoped3A_62, %run_scoped3A_63, %add3A_30, %dma_start3A_65] : memref<1x1x40x128xi32, #tpu.memory_space<vmem>> -> memref<1x1x1x128xi32, #tpu.memory_space<vmem>>
        %dma_start3A_67 = tpu.memref_squeeze %dma_start3A_66 : memref<1x1x1x128xi32, #tpu.memory_space<vmem>> -> memref<128xi32, #tpu.memory_space<vmem>>
        %dma_start3A_68 = arith.constant 0 : i32
        %dma_start3A_69 = arith.constant 0 : i32
        %dma_start3A_70 = tpu.memref_slice %arg13[%dma_start3A_68, %dma_start3A_69] : memref<10496x128xf32, #tpu.memory_space<vmem_shared>> -> memref<10496x128xf32, #tpu.memory_space<vmem_shared>>
        tpu.enqueue_indirect_dma source(%arg10 : memref<128x128xf32, #tpu.memory_space<vmem>>) target(%dma_start3A_70 : memref<10496x128xf32, #tpu.memory_space<vmem_shared>>) offsets(%dma_start3A_67 : memref<128xi32, #tpu.memory_space<vmem>>) semaphore(%run_scoped3A_64 : memref<!tpu.dma_semaphore, #tpu.memory_space<semaphore_mem>>) {add = true}
        %dma_wait3A_71 = arith.constant 0 : i32
        %dma_wait3A_72 = tpu.memref_slice %arg8[%run_scoped3A_62, %run_scoped3A_63, %add3A_30, %dma_wait3A_71] : memref<1x1x40x128xi32, #tpu.memory_space<vmem>> -> memref<1x1x1x128xi32, #tpu.memory_space<vmem>>
        %dma_wait3A_73 = tpu.memref_squeeze %dma_wait3A_72 : memref<1x1x1x128xi32, #tpu.memory_space<vmem>> -> memref<128xi32, #tpu.memory_space<vmem>>
        %dma_wait3A_74 = arith.constant 0 : i32
        %dma_wait3A_75 = arith.constant 0 : i32
        %dma_wait3A_76 = tpu.memref_slice %arg13[%dma_wait3A_74, %dma_wait3A_75] : memref<10496x128xf32, #tpu.memory_space<vmem_shared>> -> memref<10496x128xf32, #tpu.memory_space<vmem_shared>>
        tpu.wait_indirect_dma semaphore(%run_scoped3A_64 : memref<!tpu.dma_semaphore, #tpu.memory_space<semaphore_mem>>) src(%arg10 : memref<128x128xf32, #tpu.memory_space<vmem>>) dst(%dma_wait3A_76 : memref<10496x128xf32, #tpu.memory_space<vmem_shared>>)
        tpu.yield
      }) : () -> ()
    }
    %scan3A_11 = arith.constant 20 : i32
    "tpu.region"() ({
      %run_scoped3A = tpu.sem_alloc : memref<!tpu.dma_semaphore, #tpu.memory_space<semaphore_mem>>
      %dma_start3A = arith.constant 80 : i32
      %dma_start3A_25 = arith.constant 0 : i32
      %dma_start3A_26 = tpu.memref_slice %arg3[%arg0, %arg1, %dma_start3A, %dma_start3A_25] : memref<2x16x160x128xi32, #tpu.memory_space<hbm>> -> memref<1x1x40x128xi32, #tpu.memory_space<hbm>>
      %dma_start3A_27 = arith.constant 80 : i32
      %dma_start3A_28 = arith.constant 0 : i32
      %dma_start3A_29 = tpu.memref_slice %arg3[%arg0, %arg1, %dma_start3A_27, %dma_start3A_28] : memref<2x16x160x128xi32, #tpu.memory_space<hbm>> -> memref<1x1x40x128xi32, #tpu.memory_space<hbm>>
      tpu.enqueue_dma source(%dma_start3A_29 : memref<1x1x40x128xi32, #tpu.memory_space<hbm>>) target(%arg7 : memref<1x1x40x128xi32, #tpu.memory_space<vmem>>) target_semaphore(%run_scoped3A : memref<!tpu.dma_semaphore, #tpu.memory_space<semaphore_mem>>)
      %dma_wait3A = arith.constant 80 : i32
      %dma_wait3A_30 = arith.constant 0 : i32
      %dma_wait3A_31 = tpu.memref_slice %arg3[%arg0, %arg1, %dma_wait3A, %dma_wait3A_30] : memref<2x16x160x128xi32, #tpu.memory_space<hbm>> -> memref<1x1x40x128xi32, #tpu.memory_space<hbm>>
      %dma_wait3A_32 = arith.constant 80 : i32
      %dma_wait3A_33 = arith.constant 0 : i32
      %dma_wait3A_34 = tpu.memref_slice %arg3[%arg0, %arg1, %dma_wait3A_32, %dma_wait3A_33] : memref<2x16x160x128xi32, #tpu.memory_space<hbm>> -> memref<1x1x40x128xi32, #tpu.memory_space<hbm>>
      tpu.wait_dma2 semaphore(%run_scoped3A : memref<!tpu.dma_semaphore, #tpu.memory_space<semaphore_mem>>) src(%dma_wait3A_34 : memref<1x1x40x128xi32, #tpu.memory_space<hbm>>) dst(%arg7 : memref<1x1x40x128xi32, #tpu.memory_space<vmem>>)
      tpu.yield
    }) : () -> ()
    "tpu.region"() ({
      %run_scoped3A = tpu.sem_alloc : memref<!tpu.dma_semaphore, #tpu.memory_space<semaphore_mem>>
      %dma_start3A = arith.constant 80 : i32
      %dma_start3A_25 = arith.constant 0 : i32
      %dma_start3A_26 = tpu.memref_slice %arg4[%arg0, %arg1, %dma_start3A, %dma_start3A_25] : memref<2x16x160x128xi32, #tpu.memory_space<hbm>> -> memref<1x1x40x128xi32, #tpu.memory_space<hbm>>
      %dma_start3A_27 = arith.constant 80 : i32
      %dma_start3A_28 = arith.constant 0 : i32
      %dma_start3A_29 = tpu.memref_slice %arg4[%arg0, %arg1, %dma_start3A_27, %dma_start3A_28] : memref<2x16x160x128xi32, #tpu.memory_space<hbm>> -> memref<1x1x40x128xi32, #tpu.memory_space<hbm>>
      tpu.enqueue_dma source(%dma_start3A_29 : memref<1x1x40x128xi32, #tpu.memory_space<hbm>>) target(%arg8 : memref<1x1x40x128xi32, #tpu.memory_space<vmem>>) target_semaphore(%run_scoped3A : memref<!tpu.dma_semaphore, #tpu.memory_space<semaphore_mem>>)
      %dma_wait3A = arith.constant 80 : i32
      %dma_wait3A_30 = arith.constant 0 : i32
      %dma_wait3A_31 = tpu.memref_slice %arg4[%arg0, %arg1, %dma_wait3A, %dma_wait3A_30] : memref<2x16x160x128xi32, #tpu.memory_space<hbm>> -> memref<1x1x40x128xi32, #tpu.memory_space<hbm>>
      %dma_wait3A_32 = arith.constant 80 : i32
      %dma_wait3A_33 = arith.constant 0 : i32
      %dma_wait3A_34 = tpu.memref_slice %arg4[%arg0, %arg1, %dma_wait3A_32, %dma_wait3A_33] : memref<2x16x160x128xi32, #tpu.memory_space<hbm>> -> memref<1x1x40x128xi32, #tpu.memory_space<hbm>>
      tpu.wait_dma2 semaphore(%run_scoped3A : memref<!tpu.dma_semaphore, #tpu.memory_space<semaphore_mem>>) src(%dma_wait3A_34 : memref<1x1x40x128xi32, #tpu.memory_space<hbm>>) dst(%arg8 : memref<1x1x40x128xi32, #tpu.memory_space<vmem>>)
      tpu.yield
    }) : () -> ()
    %scan3A_12 = arith.constant 0 : i32
    %scan3A_13 = arith.constant 0 : i32
    %scan3A_14 = arith.constant 20 : i32
    %scan3A_15 = arith.addi %scan3A_13, %scan3A_14 : i32
    %scan3A_16 = arith.constant 1 : i32
    scf.for %scan3A_25 = %scan3A_13 to %scan3A_15 step %scan3A_16  : i32 {
      %mul3A_26 = arith.constant 2 : i32
      %mul3A_27 = arith.muli %mul3A_26, %scan3A_25 : i32
      %mul3A_28 = arith.constant 2 : i32
      %mul3A_29 = arith.muli %mul3A_28, %scan3A_25 : i32
      %add3A = arith.constant 1 : i32
      %add3A_30 = arith.addi %mul3A_29, %add3A : i32
      %dma_start3A = arith.constant 0 : i32
      %dma_start3A_31 = arith.constant 0 : i32
      %dma_start3A_32 = arith.constant 0 : i32
      %dma_start3A_33 = tpu.memref_slice %arg7[%dma_start3A, %dma_start3A_31, %mul3A_27, %dma_start3A_32] : memref<1x1x40x128xi32, #tpu.memory_space<vmem>> -> memref<1x1x1x128xi32, #tpu.memory_space<vmem>>
      %dma_start3A_34 = tpu.memref_squeeze %dma_start3A_33 : memref<1x1x1x128xi32, #tpu.memory_space<vmem>> -> memref<128xi32, #tpu.memory_space<vmem>>
      %dma_start3A_35 = arith.constant 0 : i32
      %dma_start3A_36 = arith.constant 0 : i32
      %dma_start3A_37 = tpu.memref_slice %arg5[%dma_start3A_35, %dma_start3A_36] : memref<10240x128xf32, #tpu.memory_space<hbm>> -> memref<10240x128xf32, #tpu.memory_space<hbm>>
      tpu.enqueue_indirect_dma source(%dma_start3A_37 : memref<10240x128xf32, #tpu.memory_space<hbm>>) target(%arg9 : memref<128x128xf32, #tpu.memory_space<vmem>>) offsets(%dma_start3A_34 : memref<128xi32, #tpu.memory_space<vmem>>) semaphore(%arg11 : memref<!tpu.dma_semaphore, #tpu.memory_space<semaphore_mem>>)
      %dma_start3A_38 = arith.constant 0 : i32
      %dma_start3A_39 = arith.constant 0 : i32
      %dma_start3A_40 = arith.constant 0 : i32
      %dma_start3A_41 = tpu.memref_slice %arg7[%dma_start3A_38, %dma_start3A_39, %add3A_30, %dma_start3A_40] : memref<1x1x40x128xi32, #tpu.memory_space<vmem>> -> memref<1x1x1x128xi32, #tpu.memory_space<vmem>>
      %dma_start3A_42 = tpu.memref_squeeze %dma_start3A_41 : memref<1x1x1x128xi32, #tpu.memory_space<vmem>> -> memref<128xi32, #tpu.memory_space<vmem>>
      %dma_start3A_43 = arith.constant 0 : i32
      %dma_start3A_44 = arith.constant 0 : i32
      %dma_start3A_45 = tpu.memref_slice %arg5[%dma_start3A_43, %dma_start3A_44] : memref<10240x128xf32, #tpu.memory_space<hbm>> -> memref<10240x128xf32, #tpu.memory_space<hbm>>
      tpu.enqueue_indirect_dma source(%dma_start3A_45 : memref<10240x128xf32, #tpu.memory_space<hbm>>) target(%arg10 : memref<128x128xf32, #tpu.memory_space<vmem>>) offsets(%dma_start3A_42 : memref<128xi32, #tpu.memory_space<vmem>>) semaphore(%arg12 : memref<!tpu.dma_semaphore, #tpu.memory_space<semaphore_mem>>)
      %dma_wait3A = arith.constant 0 : i32
      %dma_wait3A_46 = arith.constant 0 : i32
      %dma_wait3A_47 = arith.constant 0 : i32
      %dma_wait3A_48 = tpu.memref_slice %arg7[%dma_wait3A, %dma_wait3A_46, %mul3A_27, %dma_wait3A_47] : memref<1x1x40x128xi32, #tpu.memory_space<vmem>> -> memref<1x1x1x128xi32, #tpu.memory_space<vmem>>
      %dma_wait3A_49 = tpu.memref_squeeze %dma_wait3A_48 : memref<1x1x1x128xi32, #tpu.memory_space<vmem>> -> memref<128xi32, #tpu.memory_space<vmem>>
      %dma_wait3A_50 = arith.constant 0 : i32
      %dma_wait3A_51 = arith.constant 0 : i32
      %dma_wait3A_52 = tpu.memref_slice %arg5[%dma_wait3A_50, %dma_wait3A_51] : memref<10240x128xf32, #tpu.memory_space<hbm>> -> memref<10240x128xf32, #tpu.memory_space<hbm>>
      tpu.wait_indirect_dma semaphore(%arg11 : memref<!tpu.dma_semaphore, #tpu.memory_space<semaphore_mem>>) src(%dma_wait3A_52 : memref<10240x128xf32, #tpu.memory_space<hbm>>) dst(%arg9 : memref<128x128xf32, #tpu.memory_space<vmem>>)
      %run_scoped3A = arith.constant 0 : i32
      %run_scoped3A_53 = arith.constant 0 : i32
      "tpu.region"() ({
        %run_scoped3A_64 = tpu.sem_alloc : memref<!tpu.dma_semaphore, #tpu.memory_space<semaphore_mem>>
        %dma_start3A_65 = arith.constant 0 : i32
        %dma_start3A_66 = tpu.memref_slice %arg8[%run_scoped3A, %run_scoped3A_53, %mul3A_27, %dma_start3A_65] : memref<1x1x40x128xi32, #tpu.memory_space<vmem>> -> memref<1x1x1x128xi32, #tpu.memory_space<vmem>>
        %dma_start3A_67 = tpu.memref_squeeze %dma_start3A_66 : memref<1x1x1x128xi32, #tpu.memory_space<vmem>> -> memref<128xi32, #tpu.memory_space<vmem>>
        %dma_start3A_68 = arith.constant 0 : i32
        %dma_start3A_69 = arith.constant 0 : i32
        %dma_start3A_70 = tpu.memref_slice %arg13[%dma_start3A_68, %dma_start3A_69] : memref<10496x128xf32, #tpu.memory_space<vmem_shared>> -> memref<10496x128xf32, #tpu.memory_space<vmem_shared>>
        tpu.enqueue_indirect_dma source(%arg9 : memref<128x128xf32, #tpu.memory_space<vmem>>) target(%dma_start3A_70 : memref<10496x128xf32, #tpu.memory_space<vmem_shared>>) offsets(%dma_start3A_67 : memref<128xi32, #tpu.memory_space<vmem>>) semaphore(%run_scoped3A_64 : memref<!tpu.dma_semaphore, #tpu.memory_space<semaphore_mem>>) {add = true}
        %dma_wait3A_71 = arith.constant 0 : i32
        %dma_wait3A_72 = tpu.memref_slice %arg8[%run_scoped3A, %run_scoped3A_53, %mul3A_27, %dma_wait3A_71] : memref<1x1x40x128xi32, #tpu.memory_space<vmem>> -> memref<1x1x1x128xi32, #tpu.memory_space<vmem>>
        %dma_wait3A_73 = tpu.memref_squeeze %dma_wait3A_72 : memref<1x1x1x128xi32, #tpu.memory_space<vmem>> -> memref<128xi32, #tpu.memory_space<vmem>>
        %dma_wait3A_74 = arith.constant 0 : i32
        %dma_wait3A_75 = arith.constant 0 : i32
        %dma_wait3A_76 = tpu.memref_slice %arg13[%dma_wait3A_74, %dma_wait3A_75] : memref<10496x128xf32, #tpu.memory_space<vmem_shared>> -> memref<10496x128xf32, #tpu.memory_space<vmem_shared>>
        tpu.wait_indirect_dma semaphore(%run_scoped3A_64 : memref<!tpu.dma_semaphore, #tpu.memory_space<semaphore_mem>>) src(%arg9 : memref<128x128xf32, #tpu.memory_space<vmem>>) dst(%dma_wait3A_76 : memref<10496x128xf32, #tpu.memory_space<vmem_shared>>)
        tpu.yield
      }) : () -> ()
      %dma_wait3A_54 = arith.constant 0 : i32
      %dma_wait3A_55 = arith.constant 0 : i32
      %dma_wait3A_56 = arith.constant 0 : i32
      %dma_wait3A_57 = tpu.memref_slice %arg7[%dma_wait3A_54, %dma_wait3A_55, %add3A_30, %dma_wait3A_56] : memref<1x1x40x128xi32, #tpu.memory_space<vmem>> -> memref<1x1x1x128xi32, #tpu.memory_space<vmem>>
      %dma_wait3A_58 = tpu.memref_squeeze %dma_wait3A_57 : memref<1x1x1x128xi32, #tpu.memory_space<vmem>> -> memref<128xi32, #tpu.memory_space<vmem>>
      %dma_wait3A_59 = arith.constant 0 : i32
      %dma_wait3A_60 = arith.constant 0 : i32
      %dma_wait3A_61 = tpu.memref_slice %arg5[%dma_wait3A_59, %dma_wait3A_60] : memref<10240x128xf32, #tpu.memory_space<hbm>> -> memref<10240x128xf32, #tpu.memory_space<hbm>>
      tpu.wait_indirect_dma semaphore(%arg12 : memref<!tpu.dma_semaphore, #tpu.memory_space<semaphore_mem>>) src(%dma_wait3A_61 : memref<10240x128xf32, #tpu.memory_space<hbm>>) dst(%arg10 : memref<128x128xf32, #tpu.memory_space<vmem>>)
      %run_scoped3A_62 = arith.constant 0 : i32
      %run_scoped3A_63 = arith.constant 0 : i32
      "tpu.region"() ({
        %run_scoped3A_64 = tpu.sem_alloc : memref<!tpu.dma_semaphore, #tpu.memory_space<semaphore_mem>>
        %dma_start3A_65 = arith.constant 0 : i32
        %dma_start3A_66 = tpu.memref_slice %arg8[%run_scoped3A_62, %run_scoped3A_63, %add3A_30, %dma_start3A_65] : memref<1x1x40x128xi32, #tpu.memory_space<vmem>> -> memref<1x1x1x128xi32, #tpu.memory_space<vmem>>
        %dma_start3A_67 = tpu.memref_squeeze %dma_start3A_66 : memref<1x1x1x128xi32, #tpu.memory_space<vmem>> -> memref<128xi32, #tpu.memory_space<vmem>>
        %dma_start3A_68 = arith.constant 0 : i32
        %dma_start3A_69 = arith.constant 0 : i32
        %dma_start3A_70 = tpu.memref_slice %arg13[%dma_start3A_68, %dma_start3A_69] : memref<10496x128xf32, #tpu.memory_space<vmem_shared>> -> memref<10496x128xf32, #tpu.memory_space<vmem_shared>>
        tpu.enqueue_indirect_dma source(%arg10 : memref<128x128xf32, #tpu.memory_space<vmem>>) target(%dma_start3A_70 : memref<10496x128xf32, #tpu.memory_space<vmem_shared>>) offsets(%dma_start3A_67 : memref<128xi32, #tpu.memory_space<vmem>>) semaphore(%run_scoped3A_64 : memref<!tpu.dma_semaphore, #tpu.memory_space<semaphore_mem>>) {add = true}
        %dma_wait3A_71 = arith.constant 0 : i32
        %dma_wait3A_72 = tpu.memref_slice %arg8[%run_scoped3A_62, %run_scoped3A_63, %add3A_30, %dma_wait3A_71] : memref<1x1x40x128xi32, #tpu.memory_space<vmem>> -> memref<1x1x1x128xi32, #tpu.memory_space<vmem>>
        %dma_wait3A_73 = tpu.memref_squeeze %dma_wait3A_72 : memref<1x1x1x128xi32, #tpu.memory_space<vmem>> -> memref<128xi32, #tpu.memory_space<vmem>>
        %dma_wait3A_74 = arith.constant 0 : i32
        %dma_wait3A_75 = arith.constant 0 : i32
        %dma_wait3A_76 = tpu.memref_slice %arg13[%dma_wait3A_74, %dma_wait3A_75] : memref<10496x128xf32, #tpu.memory_space<vmem_shared>> -> memref<10496x128xf32, #tpu.memory_space<vmem_shared>>
        tpu.wait_indirect_dma semaphore(%run_scoped3A_64 : memref<!tpu.dma_semaphore, #tpu.memory_space<semaphore_mem>>) src(%arg10 : memref<128x128xf32, #tpu.memory_space<vmem>>) dst(%dma_wait3A_76 : memref<10496x128xf32, #tpu.memory_space<vmem_shared>>)
        tpu.yield
      }) : () -> ()
    }
    %scan3A_17 = arith.constant 20 : i32
    "tpu.region"() ({
      %run_scoped3A = tpu.sem_alloc : memref<!tpu.dma_semaphore, #tpu.memory_space<semaphore_mem>>
      %dma_start3A = arith.constant 120 : i32
      %dma_start3A_25 = arith.constant 0 : i32
      %dma_start3A_26 = tpu.memref_slice %arg3[%arg0, %arg1, %dma_start3A, %dma_start3A_25] : memref<2x16x160x128xi32, #tpu.memory_space<hbm>> -> memref<1x1x40x128xi32, #tpu.memory_space<hbm>>
      %dma_start3A_27 = arith.constant 120 : i32
      %dma_start3A_28 = arith.constant 0 : i32
      %dma_start3A_29 = tpu.memref_slice %arg3[%arg0, %arg1, %dma_start3A_27, %dma_start3A_28] : memref<2x16x160x128xi32, #tpu.memory_space<hbm>> -> memref<1x1x40x128xi32, #tpu.memory_space<hbm>>
      tpu.enqueue_dma source(%dma_start3A_29 : memref<1x1x40x128xi32, #tpu.memory_space<hbm>>) target(%arg7 : memref<1x1x40x128xi32, #tpu.memory_space<vmem>>) target_semaphore(%run_scoped3A : memref<!tpu.dma_semaphore, #tpu.memory_space<semaphore_mem>>)
      %dma_wait3A = arith.constant 120 : i32
      %dma_wait3A_30 = arith.constant 0 : i32
      %dma_wait3A_31 = tpu.memref_slice %arg3[%arg0, %arg1, %dma_wait3A, %dma_wait3A_30] : memref<2x16x160x128xi32, #tpu.memory_space<hbm>> -> memref<1x1x40x128xi32, #tpu.memory_space<hbm>>
      %dma_wait3A_32 = arith.constant 120 : i32
      %dma_wait3A_33 = arith.constant 0 : i32
      %dma_wait3A_34 = tpu.memref_slice %arg3[%arg0, %arg1, %dma_wait3A_32, %dma_wait3A_33] : memref<2x16x160x128xi32, #tpu.memory_space<hbm>> -> memref<1x1x40x128xi32, #tpu.memory_space<hbm>>
      tpu.wait_dma2 semaphore(%run_scoped3A : memref<!tpu.dma_semaphore, #tpu.memory_space<semaphore_mem>>) src(%dma_wait3A_34 : memref<1x1x40x128xi32, #tpu.memory_space<hbm>>) dst(%arg7 : memref<1x1x40x128xi32, #tpu.memory_space<vmem>>)
      tpu.yield
    }) : () -> ()
    "tpu.region"() ({
      %run_scoped3A = tpu.sem_alloc : memref<!tpu.dma_semaphore, #tpu.memory_space<semaphore_mem>>
      %dma_start3A = arith.constant 120 : i32
      %dma_start3A_25 = arith.constant 0 : i32
      %dma_start3A_26 = tpu.memref_slice %arg4[%arg0, %arg1, %dma_start3A, %dma_start3A_25] : memref<2x16x160x128xi32, #tpu.memory_space<hbm>> -> memref<1x1x40x128xi32, #tpu.memory_space<hbm>>
      %dma_start3A_27 = arith.constant 120 : i32
      %dma_start3A_28 = arith.constant 0 : i32
      %dma_start3A_29 = tpu.memref_slice %arg4[%arg0, %arg1, %dma_start3A_27, %dma_start3A_28] : memref<2x16x160x128xi32, #tpu.memory_space<hbm>> -> memref<1x1x40x128xi32, #tpu.memory_space<hbm>>
      tpu.enqueue_dma source(%dma_start3A_29 : memref<1x1x40x128xi32, #tpu.memory_space<hbm>>) target(%arg8 : memref<1x1x40x128xi32, #tpu.memory_space<vmem>>) target_semaphore(%run_scoped3A : memref<!tpu.dma_semaphore, #tpu.memory_space<semaphore_mem>>)
      %dma_wait3A = arith.constant 120 : i32
      %dma_wait3A_30 = arith.constant 0 : i32
      %dma_wait3A_31 = tpu.memref_slice %arg4[%arg0, %arg1, %dma_wait3A, %dma_wait3A_30] : memref<2x16x160x128xi32, #tpu.memory_space<hbm>> -> memref<1x1x40x128xi32, #tpu.memory_space<hbm>>
      %dma_wait3A_32 = arith.constant 120 : i32
      %dma_wait3A_33 = arith.constant 0 : i32
      %dma_wait3A_34 = tpu.memref_slice %arg4[%arg0, %arg1, %dma_wait3A_32, %dma_wait3A_33] : memref<2x16x160x128xi32, #tpu.memory_space<hbm>> -> memref<1x1x40x128xi32, #tpu.memory_space<hbm>>
      tpu.wait_dma2 semaphore(%run_scoped3A : memref<!tpu.dma_semaphore, #tpu.memory_space<semaphore_mem>>) src(%dma_wait3A_34 : memref<1x1x40x128xi32, #tpu.memory_space<hbm>>) dst(%arg8 : memref<1x1x40x128xi32, #tpu.memory_space<vmem>>)
      tpu.yield
    }) : () -> ()
    %scan3A_18 = arith.constant 0 : i32
    %scan3A_19 = arith.constant 0 : i32
    %scan3A_20 = arith.constant 20 : i32
    %scan3A_21 = arith.addi %scan3A_19, %scan3A_20 : i32
    %scan3A_22 = arith.constant 1 : i32
    scf.for %scan3A_25 = %scan3A_19 to %scan3A_21 step %scan3A_22  : i32 {
      %mul3A_26 = arith.constant 2 : i32
      %mul3A_27 = arith.muli %mul3A_26, %scan3A_25 : i32
      %mul3A_28 = arith.constant 2 : i32
      %mul3A_29 = arith.muli %mul3A_28, %scan3A_25 : i32
      %add3A = arith.constant 1 : i32
      %add3A_30 = arith.addi %mul3A_29, %add3A : i32
      %dma_start3A = arith.constant 0 : i32
      %dma_start3A_31 = arith.constant 0 : i32
      %dma_start3A_32 = arith.constant 0 : i32
      %dma_start3A_33 = tpu.memref_slice %arg7[%dma_start3A, %dma_start3A_31, %mul3A_27, %dma_start3A_32] : memref<1x1x40x128xi32, #tpu.memory_space<vmem>> -> memref<1x1x1x128xi32, #tpu.memory_space<vmem>>
      %dma_start3A_34 = tpu.memref_squeeze %dma_start3A_33 : memref<1x1x1x128xi32, #tpu.memory_space<vmem>> -> memref<128xi32, #tpu.memory_space<vmem>>
      %dma_start3A_35 = arith.constant 0 : i32
      %dma_start3A_36 = arith.constant 0 : i32
      %dma_start3A_37 = tpu.memref_slice %arg5[%dma_start3A_35, %dma_start3A_36] : memref<10240x128xf32, #tpu.memory_space<hbm>> -> memref<10240x128xf32, #tpu.memory_space<hbm>>
      tpu.enqueue_indirect_dma source(%dma_start3A_37 : memref<10240x128xf32, #tpu.memory_space<hbm>>) target(%arg9 : memref<128x128xf32, #tpu.memory_space<vmem>>) offsets(%dma_start3A_34 : memref<128xi32, #tpu.memory_space<vmem>>) semaphore(%arg11 : memref<!tpu.dma_semaphore, #tpu.memory_space<semaphore_mem>>)
      %dma_start3A_38 = arith.constant 0 : i32
      %dma_start3A_39 = arith.constant 0 : i32
      %dma_start3A_40 = arith.constant 0 : i32
      %dma_start3A_41 = tpu.memref_slice %arg7[%dma_start3A_38, %dma_start3A_39, %add3A_30, %dma_start3A_40] : memref<1x1x40x128xi32, #tpu.memory_space<vmem>> -> memref<1x1x1x128xi32, #tpu.memory_space<vmem>>
      %dma_start3A_42 = tpu.memref_squeeze %dma_start3A_41 : memref<1x1x1x128xi32, #tpu.memory_space<vmem>> -> memref<128xi32, #tpu.memory_space<vmem>>
      %dma_start3A_43 = arith.constant 0 : i32
      %dma_start3A_44 = arith.constant 0 : i32
      %dma_start3A_45 = tpu.memref_slice %arg5[%dma_start3A_43, %dma_start3A_44] : memref<10240x128xf32, #tpu.memory_space<hbm>> -> memref<10240x128xf32, #tpu.memory_space<hbm>>
      tpu.enqueue_indirect_dma source(%dma_start3A_45 : memref<10240x128xf32, #tpu.memory_space<hbm>>) target(%arg10 : memref<128x128xf32, #tpu.memory_space<vmem>>) offsets(%dma_start3A_42 : memref<128xi32, #tpu.memory_space<vmem>>) semaphore(%arg12 : memref<!tpu.dma_semaphore, #tpu.memory_space<semaphore_mem>>)
      %dma_wait3A = arith.constant 0 : i32
      %dma_wait3A_46 = arith.constant 0 : i32
      %dma_wait3A_47 = arith.constant 0 : i32
      %dma_wait3A_48 = tpu.memref_slice %arg7[%dma_wait3A, %dma_wait3A_46, %mul3A_27, %dma_wait3A_47] : memref<1x1x40x128xi32, #tpu.memory_space<vmem>> -> memref<1x1x1x128xi32, #tpu.memory_space<vmem>>
      %dma_wait3A_49 = tpu.memref_squeeze %dma_wait3A_48 : memref<1x1x1x128xi32, #tpu.memory_space<vmem>> -> memref<128xi32, #tpu.memory_space<vmem>>
      %dma_wait3A_50 = arith.constant 0 : i32
      %dma_wait3A_51 = arith.constant 0 : i32
      %dma_wait3A_52 = tpu.memref_slice %arg5[%dma_wait3A_50, %dma_wait3A_51] : memref<10240x128xf32, #tpu.memory_space<hbm>> -> memref<10240x128xf32, #tpu.memory_space<hbm>>
      tpu.wait_indirect_dma semaphore(%arg11 : memref<!tpu.dma_semaphore, #tpu.memory_space<semaphore_mem>>) src(%dma_wait3A_52 : memref<10240x128xf32, #tpu.memory_space<hbm>>) dst(%arg9 : memref<128x128xf32, #tpu.memory_space<vmem>>)
      %run_scoped3A = arith.constant 0 : i32
      %run_scoped3A_53 = arith.constant 0 : i32
      "tpu.region"() ({
        %run_scoped3A_64 = tpu.sem_alloc : memref<!tpu.dma_semaphore, #tpu.memory_space<semaphore_mem>>
        %dma_start3A_65 = arith.constant 0 : i32
        %dma_start3A_66 = tpu.memref_slice %arg8[%run_scoped3A, %run_scoped3A_53, %mul3A_27, %dma_start3A_65] : memref<1x1x40x128xi32, #tpu.memory_space<vmem>> -> memref<1x1x1x128xi32, #tpu.memory_space<vmem>>
        %dma_start3A_67 = tpu.memref_squeeze %dma_start3A_66 : memref<1x1x1x128xi32, #tpu.memory_space<vmem>> -> memref<128xi32, #tpu.memory_space<vmem>>
        %dma_start3A_68 = arith.constant 0 : i32
        %dma_start3A_69 = arith.constant 0 : i32
        %dma_start3A_70 = tpu.memref_slice %arg13[%dma_start3A_68, %dma_start3A_69] : memref<10496x128xf32, #tpu.memory_space<vmem_shared>> -> memref<10496x128xf32, #tpu.memory_space<vmem_shared>>
        tpu.enqueue_indirect_dma source(%arg9 : memref<128x128xf32, #tpu.memory_space<vmem>>) target(%dma_start3A_70 : memref<10496x128xf32, #tpu.memory_space<vmem_shared>>) offsets(%dma_start3A_67 : memref<128xi32, #tpu.memory_space<vmem>>) semaphore(%run_scoped3A_64 : memref<!tpu.dma_semaphore, #tpu.memory_space<semaphore_mem>>) {add = true}
        %dma_wait3A_71 = arith.constant 0 : i32
        %dma_wait3A_72 = tpu.memref_slice %arg8[%run_scoped3A, %run_scoped3A_53, %mul3A_27, %dma_wait3A_71] : memref<1x1x40x128xi32, #tpu.memory_space<vmem>> -> memref<1x1x1x128xi32, #tpu.memory_space<vmem>>
        %dma_wait3A_73 = tpu.memref_squeeze %dma_wait3A_72 : memref<1x1x1x128xi32, #tpu.memory_space<vmem>> -> memref<128xi32, #tpu.memory_space<vmem>>
        %dma_wait3A_74 = arith.constant 0 : i32
        %dma_wait3A_75 = arith.constant 0 : i32
        %dma_wait3A_76 = tpu.memref_slice %arg13[%dma_wait3A_74, %dma_wait3A_75] : memref<10496x128xf32, #tpu.memory_space<vmem_shared>> -> memref<10496x128xf32, #tpu.memory_space<vmem_shared>>
        tpu.wait_indirect_dma semaphore(%run_scoped3A_64 : memref<!tpu.dma_semaphore, #tpu.memory_space<semaphore_mem>>) src(%arg9 : memref<128x128xf32, #tpu.memory_space<vmem>>) dst(%dma_wait3A_76 : memref<10496x128xf32, #tpu.memory_space<vmem_shared>>)
        tpu.yield
      }) : () -> ()
      %dma_wait3A_54 = arith.constant 0 : i32
      %dma_wait3A_55 = arith.constant 0 : i32
      %dma_wait3A_56 = arith.constant 0 : i32
      %dma_wait3A_57 = tpu.memref_slice %arg7[%dma_wait3A_54, %dma_wait3A_55, %add3A_30, %dma_wait3A_56] : memref<1x1x40x128xi32, #tpu.memory_space<vmem>> -> memref<1x1x1x128xi32, #tpu.memory_space<vmem>>
      %dma_wait3A_58 = tpu.memref_squeeze %dma_wait3A_57 : memref<1x1x1x128xi32, #tpu.memory_space<vmem>> -> memref<128xi32, #tpu.memory_space<vmem>>
      %dma_wait3A_59 = arith.constant 0 : i32
      %dma_wait3A_60 = arith.constant 0 : i32
      %dma_wait3A_61 = tpu.memref_slice %arg5[%dma_wait3A_59, %dma_wait3A_60] : memref<10240x128xf32, #tpu.memory_space<hbm>> -> memref<10240x128xf32, #tpu.memory_space<hbm>>
      tpu.wait_indirect_dma semaphore(%arg12 : memref<!tpu.dma_semaphore, #tpu.memory_space<semaphore_mem>>) src(%dma_wait3A_61 : memref<10240x128xf32, #tpu.memory_space<hbm>>) dst(%arg10 : memref<128x128xf32, #tpu.memory_space<vmem>>)
      %run_scoped3A_62 = arith.constant 0 : i32
      %run_scoped3A_63 = arith.constant 0 : i32
      "tpu.region"() ({
        %run_scoped3A_64 = tpu.sem_alloc : memref<!tpu.dma_semaphore, #tpu.memory_space<semaphore_mem>>
        %dma_start3A_65 = arith.constant 0 : i32
        %dma_start3A_66 = tpu.memref_slice %arg8[%run_scoped3A_62, %run_scoped3A_63, %add3A_30, %dma_start3A_65] : memref<1x1x40x128xi32, #tpu.memory_space<vmem>> -> memref<1x1x1x128xi32, #tpu.memory_space<vmem>>
        %dma_start3A_67 = tpu.memref_squeeze %dma_start3A_66 : memref<1x1x1x128xi32, #tpu.memory_space<vmem>> -> memref<128xi32, #tpu.memory_space<vmem>>
        %dma_start3A_68 = arith.constant 0 : i32
        %dma_start3A_69 = arith.constant 0 : i32
        %dma_start3A_70 = tpu.memref_slice %arg13[%dma_start3A_68, %dma_start3A_69] : memref<10496x128xf32, #tpu.memory_space<vmem_shared>> -> memref<10496x128xf32, #tpu.memory_space<vmem_shared>>
        tpu.enqueue_indirect_dma source(%arg10 : memref<128x128xf32, #tpu.memory_space<vmem>>) target(%dma_start3A_70 : memref<10496x128xf32, #tpu.memory_space<vmem_shared>>) offsets(%dma_start3A_67 : memref<128xi32, #tpu.memory_space<vmem>>) semaphore(%run_scoped3A_64 : memref<!tpu.dma_semaphore, #tpu.memory_space<semaphore_mem>>) {add = true}
        %dma_wait3A_71 = arith.constant 0 : i32
        %dma_wait3A_72 = tpu.memref_slice %arg8[%run_scoped3A_62, %run_scoped3A_63, %add3A_30, %dma_wait3A_71] : memref<1x1x40x128xi32, #tpu.memory_space<vmem>> -> memref<1x1x1x128xi32, #tpu.memory_space<vmem>>
        %dma_wait3A_73 = tpu.memref_squeeze %dma_wait3A_72 : memref<1x1x1x128xi32, #tpu.memory_space<vmem>> -> memref<128xi32, #tpu.memory_space<vmem>>
        %dma_wait3A_74 = arith.constant 0 : i32
        %dma_wait3A_75 = arith.constant 0 : i32
        %dma_wait3A_76 = tpu.memref_slice %arg13[%dma_wait3A_74, %dma_wait3A_75] : memref<10496x128xf32, #tpu.memory_space<vmem_shared>> -> memref<10496x128xf32, #tpu.memory_space<vmem_shared>>
        tpu.wait_indirect_dma semaphore(%run_scoped3A_64 : memref<!tpu.dma_semaphore, #tpu.memory_space<semaphore_mem>>) src(%arg10 : memref<128x128xf32, #tpu.memory_space<vmem>>) dst(%dma_wait3A_76 : memref<10496x128xf32, #tpu.memory_space<vmem_shared>>)
        tpu.yield
      }) : () -> ()
    }
    %scan3A_23 = arith.constant 20 : i32
    %barrier3A_24 = arith.constant 0 : index
    tpu.barrier barrier_id(%barrier3A_24)
    "tpu.region"() ({
      %run_scoped3A = tpu.sem_alloc : memref<!tpu.dma_semaphore, #tpu.memory_space<semaphore_mem>>
      %dma_start3A = arith.constant 0 : i32
      %dma_start3A_25 = tpu.memref_slice %arg6[%arg0, %mul3A_0, %dma_start3A] : memref<2x10496x128xf32, #tpu.memory_space<hbm>> -> memref<1x656x128xf32, #tpu.memory_space<hbm>>
      %dma_start3A_26 = tpu.memref_squeeze %dma_start3A_25 : memref<1x656x128xf32, #tpu.memory_space<hbm>> -> memref<656x128xf32, #tpu.memory_space<hbm>>
      %dma_start3A_27 = arith.constant 0 : i32
      %dma_start3A_28 = tpu.memref_slice %arg13[%mul3A_0, %dma_start3A_27] : memref<10496x128xf32, #tpu.memory_space<vmem_shared>> -> memref<656x128xf32, #tpu.memory_space<vmem_shared>>
      tpu.enqueue_dma source(%dma_start3A_28 : memref<656x128xf32, #tpu.memory_space<vmem_shared>>) target(%dma_start3A_26 : memref<656x128xf32, #tpu.memory_space<hbm>>) target_semaphore(%run_scoped3A : memref<!tpu.dma_semaphore, #tpu.memory_space<semaphore_mem>>)
      %dma_wait3A = arith.constant 0 : i32
      %dma_wait3A_29 = tpu.memref_slice %arg6[%arg0, %mul3A_0, %dma_wait3A] : memref<2x10496x128xf32, #tpu.memory_space<hbm>> -> memref<1x656x128xf32, #tpu.memory_space<hbm>>
      %dma_wait3A_30 = tpu.memref_squeeze %dma_wait3A_29 : memref<1x656x128xf32, #tpu.memory_space<hbm>> -> memref<656x128xf32, #tpu.memory_space<hbm>>
      %dma_wait3A_31 = arith.constant 0 : i32
      %dma_wait3A_32 = tpu.memref_slice %arg13[%mul3A_0, %dma_wait3A_31] : memref<10496x128xf32, #tpu.memory_space<vmem_shared>> -> memref<656x128xf32, #tpu.memory_space<vmem_shared>>
      tpu.wait_dma2 semaphore(%run_scoped3A : memref<!tpu.dma_semaphore, #tpu.memory_space<semaphore_mem>>) src(%dma_wait3A_32 : memref<656x128xf32, #tpu.memory_space<vmem_shared>>) dst(%dma_wait3A_30 : memref<656x128xf32, #tpu.memory_space<hbm>>)
      tpu.yield
    }) : () -> ()
    return
  }
}

module attributes {stable_mosaic.version = 14 : i64} {
  func.func @_mlp_body(%arg0: memref<2x10496x128xf32, #tpu.memory_space<vmem>>, %arg1: memref<128x256xf32, #tpu.memory_space<vmem>>, %arg2: memref<1x256xf32, #tpu.memory_space<vmem>>, %arg3: memref<256x256xf32, #tpu.memory_space<vmem>>, %arg4: memref<1x256xf32, #tpu.memory_space<vmem>>, %arg5: memref<1x256xf32, #tpu.memory_space<vmem>>, %arg6: memref<1x256xf32, #tpu.memory_space<vmem>>, %arg7: memref<10000x256xf32, #tpu.memory_space<vmem>>) attributes {dimension_semantics = [], scalar_prefetch = 0 : i64, scratch_operands = 0 : i64, tpu.core_type = #tpu.core_type<tc>} {
    %get3A = arith.constant 0 : index
    %get3A_0 = arith.constant 0 : index
    %get3A_1 = arith.constant 0 : index
    %get3A_2 = vector.load %arg0[%get3A, %get3A_0, %get3A_1] : memref<2x10496x128xf32, #tpu.memory_space<vmem>>, vector<1x10000x128xf32>
    %get3A_3 = vector.shape_cast %get3A_2 : vector<1x10000x128xf32> to vector<10000x128xf32>
    %get3A_4 = arith.constant 1 : index
    %get3A_5 = arith.constant 0 : index
    %get3A_6 = arith.constant 0 : index
    %get3A_7 = vector.load %arg0[%get3A_4, %get3A_5, %get3A_6] : memref<2x10496x128xf32, #tpu.memory_space<vmem>>, vector<1x10000x128xf32>
    %get3A_8 = vector.shape_cast %get3A_7 : vector<1x10000x128xf32> to vector<10000x128xf32>
    %add3A = arith.addf %get3A_3, %get3A_8 : vector<10000x128xf32>
    %get3A_9 = arith.constant 0 : index
    %get3A_10 = arith.constant 0 : index
    %get3A_11 = vector.load %arg1[%get3A_9, %get3A_10] : memref<128x256xf32, #tpu.memory_space<vmem>>, vector<128x256xf32>
    %dot_general3A = arith.constant dense<0.000000e+00> : vector<10000x256xf32>
    %dot_general3A_12 = tpu.matmul %add3A, %get3A_11, %dot_general3A {dimension_numbers = #tpu.dot_dimension_numbers<[1], [0], [0], [1], [0, 0, 1, 1], [], []>, transpose_lhs_hint = false} : vector<10000x128xf32>, vector<128x256xf32>, vector<10000x256xf32> -> vector<10000x256xf32>
    %get3A_13 = arith.constant 0 : index
    %get3A_14 = arith.constant 0 : index
    %get3A_15 = vector.load %arg2[%get3A_13, %get3A_14] : memref<1x256xf32, #tpu.memory_space<vmem>>, vector<1x256xf32>
    %add3A_16 = vector.broadcast %get3A_15 : vector<1x256xf32> to vector<10000x256xf32>
    %add3A_17 = arith.addf %dot_general3A_12, %add3A_16 : vector<10000x256xf32>
    %max3A = arith.constant 0.000000e+00 : f32
    %max3A_18 = vector.broadcast %max3A : f32 to vector<10000x256xf32>
    %max3A_19 = arith.maximumf %add3A_17, %max3A_18 : vector<10000x256xf32>
    %get3A_20 = arith.constant 0 : index
    %get3A_21 = arith.constant 0 : index
    %get3A_22 = vector.load %arg3[%get3A_20, %get3A_21] : memref<256x256xf32, #tpu.memory_space<vmem>>, vector<256x256xf32>
    %dot_general3A_23 = arith.constant dense<0.000000e+00> : vector<10000x256xf32>
    %dot_general3A_24 = tpu.matmul %max3A_19, %get3A_22, %dot_general3A_23 {dimension_numbers = #tpu.dot_dimension_numbers<[1], [0], [0], [1], [0, 0, 1, 1], [], []>, transpose_lhs_hint = false} : vector<10000x256xf32>, vector<256x256xf32>, vector<10000x256xf32> -> vector<10000x256xf32>
    %get3A_25 = arith.constant 0 : index
    %get3A_26 = arith.constant 0 : index
    %get3A_27 = vector.load %arg4[%get3A_25, %get3A_26] : memref<1x256xf32, #tpu.memory_space<vmem>>, vector<1x256xf32>
    %add3A_28 = vector.broadcast %get3A_27 : vector<1x256xf32> to vector<10000x256xf32>
    %add3A_29 = arith.addf %dot_general3A_24, %add3A_28 : vector<10000x256xf32>
    %max3A_30 = arith.constant 0.000000e+00 : f32
    %max3A_31 = vector.broadcast %max3A_30 : f32 to vector<10000x256xf32>
    %max3A_32 = arith.maximumf %add3A_29, %max3A_31 : vector<10000x256xf32>
    %reduce_sum3A = arith.constant dense<0.000000e+00> : vector<256xf32>
    %reduce_sum3A_33 = vector.multi_reduction <add>, %max3A_32, %reduce_sum3A [0] : vector<10000x256xf32> to vector<256xf32>
    %broadcast_in_dim3A = vector.shape_cast %reduce_sum3A_33 : vector<256xf32> to vector<1x256xf32>
    %div3A = arith.constant 1.000000e+04 : f32
    %div3A_34 = vector.broadcast %div3A : f32 to vector<1x256xf32>
    %div3A_35 = arith.divf %broadcast_in_dim3A, %div3A_34 : vector<1x256xf32>
    %sub3A = vector.broadcast %div3A_35 : vector<1x256xf32> to vector<10000x256xf32>
    %sub3A_36 = arith.subf %max3A_32, %sub3A : vector<10000x256xf32>
    %mul3A = arith.mulf %sub3A_36, %sub3A_36 : vector<10000x256xf32>
    %reduce_sum3A_37 = arith.constant dense<0.000000e+00> : vector<256xf32>
    %reduce_sum3A_38 = vector.multi_reduction <add>, %mul3A, %reduce_sum3A_37 [0] : vector<10000x256xf32> to vector<256xf32>
    %broadcast_in_dim3A_39 = vector.shape_cast %reduce_sum3A_38 : vector<256xf32> to vector<1x256xf32>
    %div3A_40 = arith.constant 1.000000e+04 : f32
    %div3A_41 = vector.broadcast %div3A_40 : f32 to vector<1x256xf32>
    %div3A_42 = arith.divf %broadcast_in_dim3A_39, %div3A_41 : vector<1x256xf32>
    %add3A_43 = arith.constant 9.99999974E-6 : f32
    %add3A_44 = vector.broadcast %add3A_43 : f32 to vector<1x256xf32>
    %add3A_45 = arith.addf %div3A_42, %add3A_44 : vector<1x256xf32>
    %rsqrt3A = math.rsqrt %add3A_45 : vector<1x256xf32>
    %mul3A_46 = vector.broadcast %rsqrt3A : vector<1x256xf32> to vector<10000x256xf32>
    %mul3A_47 = arith.mulf %sub3A_36, %mul3A_46 : vector<10000x256xf32>
    %get3A_48 = arith.constant 0 : index
    %get3A_49 = arith.constant 0 : index
    %get3A_50 = vector.load %arg5[%get3A_48, %get3A_49] : memref<1x256xf32, #tpu.memory_space<vmem>>, vector<1x256xf32>
    %mul3A_51 = vector.broadcast %get3A_50 : vector<1x256xf32> to vector<10000x256xf32>
    %mul3A_52 = arith.mulf %mul3A_47, %mul3A_51 : vector<10000x256xf32>
    %get3A_53 = arith.constant 0 : index
    %get3A_54 = arith.constant 0 : index
    %get3A_55 = vector.load %arg6[%get3A_53, %get3A_54] : memref<1x256xf32, #tpu.memory_space<vmem>>, vector<1x256xf32>
    %add3A_56 = vector.broadcast %get3A_55 : vector<1x256xf32> to vector<10000x256xf32>
    %add3A_57 = arith.addf %mul3A_52, %add3A_56 : vector<10000x256xf32>
    %max3A_58 = arith.constant 0.000000e+00 : f32
    %max3A_59 = vector.broadcast %max3A_58 : f32 to vector<10000x256xf32>
    %max3A_60 = arith.maximumf %add3A_57, %max3A_59 : vector<10000x256xf32>
    %swap3A = arith.constant 0 : index
    %swap3A_61 = arith.constant 0 : index
    %swap3A_62 = vector.load %arg7[%swap3A, %swap3A_61] : memref<10000x256xf32, #tpu.memory_space<vmem>>, vector<10000x256xf32>
    tpu.vector_store %arg7[%swap3A, %swap3A_61], %max3A_60 {strides = array<i32>} : memref<10000x256xf32, #tpu.memory_space<vmem>>, vector<10000x256xf32>,
    return
  }
}

</mosaic_0001>

<sc_bundles>
// kernel: kernel.4.cloned.1.call-start
scs
__scs_entry_jumppad:
0x0: {  	(pc) =	sbr.rel $0x88, $3  }
0x1: {  	(tag) =	ssettag $0x0;
	lr =	simm.s32 $0x1  }
0x2: {  	[smem:$0x3F99] =	sst lr;
	_ =	strace $0xD0000000  }
0x3: {  	_ = 	snop  }
0x4: {  	_ = 	snop  }
0x5: {  	_ = 	snop  }
0x6: {  	_ = 	snop  }
0x7: {  	_ = 	snop  }
__scs_overlays_trampoline_lowered:
0x8: {  	[smem:$0x3FA8] =	sst s0  }
0x9: {  	[smem:$0x3FA9] =	sst s1  }
0xa: {  	[smem:$0x3FAA] =	sst s2  }
0xb: {  	[smem:$0x3FAB] =	sst s3  }
0xc: {  	[smem:$0x3FAC] =	sst s4  }
0xd: {  	[smem:$0x3FAD] =	sst s5  }
0xe: {  	[smem:$0x3FAE] =	sst s6  }
0xf: {  	[smem:$0x3FAF] =	sst s7  }
0x10: {  	[smem:$0x3FB0] =	sst s8  }
0x11: {  	[smem:$0x3FB1] =	sst s9;
	s0 =	simm.s32 @!p0 $0x0  }
0x12: {  	s1 =	sld [smem:$0x3F97];
	s0 =	simm.s32 @p0 $0x1  }
0x13: {  	[smem:$0x3FB2] =	sst s0;
	s0 =	simm.s32 @!p1 $0x0  }
0x14: {  	s2 =	sld [smem:$0x3F96];
	s0 =	simm.s32 @p1 $0x1  }
0x15: {  	[smem:$0x3FB3] =	sst s0;
	s0 =	simm.s32 @!p2 $0x0  }
0x16: {  	s3 =	sld [smem:$0x3FDB];
	s0 =	simm.s32 @p2 $0x1  }
0x17: {  	s4 =	simm.s32 $0x1BF5;
	[smem:$0x3FB5] =	sst s0  }
0x18: {  	s0 =	sld [smem:$0x3F98];
	_ =	swait.ge [sflag:s4], $0x0  }
0x19: {  	s7 =	sld [smem:$0x3F99]  }
0x1a: {  	s8 =	sadd.s32 $0xFFFFE003, lr  }
0x1b: {  	s9 =	sadd.s32 $0xFFFFFEF7, lr;
	s5 =	simm.s32 $0xFFFFFFFF;
	p2 =	slt.u32 s8, $0xFFFFF086  }
0x1c: {  	p1 =	slt.u32 s9, $0xF7A;
	s5 =	simm.s32 @!p2 $0x0  }
0x1d: {  	s5 =	simm.s32 @p1 $0x1;
	p0 =	seq.s32 s7, s2  }
0x1e: {  	s7 =	smul.u32 @!p0 $0xF7A, s2;
	p2 =	seq.s32 @!p0 s5, $0x0  }
0x1f: {  	s9 =	smul.u32 $0xF7A, s1;
	s8 =	simm.s32 @!p0 $0x1BF5;
	p2 =	por !p2, p0  }
0x20: {  	[sflag:s8] =	ssyncset.s32 @!p0 $0xFFFFF086;
	s6 =	sadd.s32 @!p0 s3, s7;
	s7 =	simm.s32 @!p0 $0x108  }
0x21: {  	s3 =	sadd.s32 s3, s9;
	s6 =	sadd.s32 @!p0 $0x88, s6;
	s7 =	simm.s32 @p2 $0x1082  }
0x22: {  	[simem:s7], [sflag:s8] =	dma.local @!p0 [hbm:s6], $0xF7A  }
0x23: {  	s9 =	sor.u32 $0xD0000000, s2;
	s6 =	simm.s32 $0x108;
	_ =	swait.ge @!p0 [sflag:s8], $0x0  }
0x24: {  	s3 =	sadd.s32 $0x88, s3;
	s6 =	simm.s32 @!p1 $0x1082;
	[sflag:s4] =	ssyncset.s32 $0xFFFFF086  }
0x25: {  	[simem:s6], [sflag:s4] =	dma.local [hbm:s3], $0xF7A  }
0x26: {  	[smem:$0x3F99] =	sst s1;
	(tag) =	ssettag s2;
	_ =	strace s9  }
0x27: {  	s1 =	sld [smem:$0x3FA9]  }
0x28: {  	s2 =	sld [smem:$0x3FAA]  }
0x29: {  	s4 =	sld [smem:$0x3FAC]  }
0x2a: {  	p0 =	seq.s32 s5, $0x0;
	s5 =	sld [smem:$0x3FAD]  }
0x2b: {  	s6 =	sld [smem:$0x3FAE]  }
0x2c: {  	s7 =	sld [smem:$0x3FAF]  }
0x2d: {  	s3 =	simm.s32 $0x108;
	s8 =	sld [smem:$0x3FB0]  }
0x2e: {  	s3 =	simm.s32 @!p0 $0x1082;
	s9 =	sld [smem:$0x3FB1]  }
0x2f: {  	lr =	sadd.s32 s0, s3;
	s0 =	sld [smem:$0x3FA8]  }
0x30: {  	s3 =	sld [smem:$0x3FAB]  }
0x31: {  	[smem:$0x3FB4] =	sst s10  }
0x32: {  	s10 =	sld [smem:$0x3FB2];
	_ =	sdelay $0x3  }
0x33: {  	p0 =	seq.s32 s10, $0x1;
	s10 =	sld [smem:$0x3FB4];
	_ =	sdelay $0x3  }
0x34: {  	[smem:$0x3FB4] =	sst s10  }
0x35: {  	s10 =	sld [smem:$0x3FB3];
	_ =	sdelay $0x3  }
0x36: {  	p1 =	seq.s32 s10, $0x1;
	s10 =	sld [smem:$0x3FB4];
	_ =	sdelay $0x3  }
0x37: {  	[smem:$0x3FB4] =	sst s10  }
0x38: {  	s10 =	sld [smem:$0x3FB5]  }
0x39: {  	_ = 	snop;
	(pc) =	sbr.ind lr, $3  }
0x3a: {  	_ = 	snop  }
0x3b: {  	_ = 	snop  }
0x3c: {  	p2 =	seq.s32 s10, $0x1;
	s10 =	sld [smem:$0x3FB4]  }
0x3d: {  	_ =	shalt  }
0x3e: {  	_ =	shalt  }
0x3f: {  	_ =	shalt  }
0x40: {  	_ =	shalt  }
0x41: {  	_ =	shalt  }
0x42: {  	_ =	shalt  }
0x43: {  	_ =	shalt  }
0x44: {  	_ =	shalt  }
0x45: {  	_ =	shalt  }
0x46: {  	_ =	shalt  }
0x47: {  	_ =	shalt  }
0x48: {  	_ =	shalt  }
0x49: {  	_ =	shalt  }
0x4a: {  	_ =	shalt  }
0x4b: {  	_ =	shalt  }
0x4c: {  	_ =	shalt  }
0x4d: {  	_ =	shalt  }
0x4e: {  	_ =	shalt  }
0x4f: {  	_ =	shalt  }
0x50: {  	_ =	shalt  }
0x51: {  	_ =	shalt  }
0x52: {  	_ =	shalt  }
0x53: {  	_ =	shalt  }
0x54: {  	_ =	shalt  }
0x55: {  	_ =	shalt  }
0x56: {  	_ =	shalt  }
0x57: {  	_ =	shalt  }
0x58: {  	_ =	shalt  }
0x59: {  	_ =	shalt  }
0x5a: {  	_ =	shalt  }
0x5b: {  	_ =	shalt  }
0x5c: {  	_ =	shalt  }
0x5d: {  	_ =	shalt  }
0x5e: {  	_ =	shalt  }
0x5f: {  	_ =	shalt  }
0x60: {  	_ =	shalt  }
0x61: {  	_ =	shalt  }
0x62: {  	_ =	shalt  }
0x63: {  	_ =	shalt  }
0x64: {  	_ =	shalt  }
0x65: {  	_ =	shalt  }
0x66: {  	_ =	shalt  }
0x67: {  	_ =	shalt  }
0x68: {  	_ =	shalt  }
0x69: {  	_ =	shalt  }
0x6a: {  	_ =	shalt  }
0x6b: {  	_ =	shalt  }
0x6c: {  	_ =	shalt  }
0x6d: {  	_ =	shalt  }
0x6e: {  	_ =	shalt  }
0x6f: {  	_ =	shalt  }
0x70: {  	_ =	shalt  }
0x71: {  	_ =	shalt  }
0x72: {  	_ =	shalt  }
0x73: {  	_ =	shalt  }
0x74: {  	_ =	shalt  }
0x75: {  	_ =	shalt  }
0x76: {  	_ =	shalt  }
0x77: {  	_ =	shalt  }
0x78: {  	_ =	shalt  }
0x79: {  	_ =	shalt  }
0x7a: {  	_ =	shalt  }
0x7b: {  	_ =	shalt  }
0x7c: {  	_ =	shalt  }
0x7d: {  	_ =	shalt  }
0x7e: {  	_ =	shalt  }
0x7f: {  	_ =	shalt  }
0x80: {  	_ =	shalt  }
0x81: {  	_ =	shalt  }
0x82: {  	_ =	shalt  }
0x83: {  	_ =	shalt  }
0x84: {  	_ =	shalt  }
0x85: {  	_ =	shalt  }
0x86: {  	_ =	shalt  }
0x87: {  	_ =	shalt  }
.Lfunc_end0:
.L_simem_size_0:
called_computation_lowered:
.L_overlay_start_0:
0x88: {  	s2 =	sld [smem:$0x3FD9]  }
0x89: {  	s3 =	sld [smem:$0x3FFE];
	_ =	sdelay $0x1  }
0x8a: {  	s1 =	srdreg.scid  }
0x8b: {  	s0 =	sand.u32 $0x1, s1  }
0x8c: {  	s17 =	sshll.u32 s0, $0xA;
	s2 =	sadd.s32 s3, s2  }
0x8d: {  	s2 =	sadd.s32 s2, s17  }
0x8e: {  	[smem:$0x3FC0] =	sst s2  }
0x8f: {  	_ = 	snop  }
0x90: {  	s2 =	sld [smem:$0x3FD0];
	(tm) =	ssettm $0x1  }
0x91: {  	s18 =	sld [smem:$0x3FFB];
	_ =	sdelay $0x3  }
0x92: {  	_ =	strace s18  }
0x93: {  	s3 =	sld [smem:$0x3FFC];
	_ =	sdelay $0x3  }
0x94: {  	_ =	strace s3  }
0x95: {  	s3 =	sld [smem:$0x3FFD];
	_ =	sdelay $0x3  }
0x96: {  	_ =	strace s3  }
0x97: {  	_ =	strace $0x8FFFFFFF  }
0x98: {  	s19 =	sld [smem:$0x3FDB];
	_ =	sdelay $0x1  }
0x99: {  	s4 =	simm.s32 $_scs_section_size  }
0x9a: {  	s5 =	simm.s32 $_size__tile_overlayer_lowered;
	s6 =	simm.s32 $_tile_overlayer_lowered  }
0x9b: {  	s22 =	simm.s32 $0x1BFF;
	s21 =	sshll.u32 s6, $0x1;
	s3 =	sadd.s32 s4, s19  }
0x9c: {  	s7 =	simm.s32 $0x0;
	s20 =	sshll.u32 s5, $0x1;
	s5 =	sadd.s32 s21, s3  }
0x9d: {  	[timem:s7], [sflag:s22] =	dma.local [hbm:s5], s20  }
0x9e: {  	_ =	swait.ge [sflag:s22], s20  }
0x9f: {  	s4 =	ssub.s32 $0x0, s20;
	[sflag:s22] =	ssyncset.done $0x0  }
0xa0: {  	[sflag:s22] =	ssyncadd.s32 s4;
	_ =	sdelay $0x1  }
0xa1: {  	s23 =	simm.s32 $0x1B8B  }
0xa2: {  	_ =	swait.ge [sflag:s23], $0x1  }
0xa3: {  	[sflag:s23] =	ssyncset.done $0x0  }
0xa4: {  	s25 =	simm.s32 $0x1B8E;
	s24 =	sld [smem:$0x3FFE];
	[sflag:s23] =	ssyncadd.s32 $0xFFFFFFFF  }
0xa5: {  	s26 =	simm.s32 $execute0_lowered;
	[smem:$0x3FD2] =	sst s25  }
0xa6: {  	s5 =	sshll.u32 s26, $0x1;
	_ =	strace $0x80000046;
	[dreg:$0x1] =	wrdreg $0xFFFFFFFF  }
0xa7: {  	s28 =	simm.s32 $_size_execute0_lowered;
	s3 =	sadd.s32 s3, s5;
	[dreg:$0x0] =	wrdreg $0x0  }
0xa8: {  	s5 =	sshll.u32 s28, $0x1;
	[dreg:$0x2] =	wrdreg s3  }
0xa9: {  	[dreg:$0x3] =	wrdreg s5  }
0xaa: {  	[dreg:$0x4] =	wrdreg $0xC0  }
0xab: {  	_ =	task [dreg:s7], $0x5FFFF  }
0xac: {  	[dreg:$0x1] =	wrdreg $0xFFFFFFFF  }
0xad: {  	[dreg:$0x0] =	wrdreg $0x60  }
0xae: {  	[dreg:$0x2] =	wrdreg s24  }
0xaf: {  	[dreg:$0x3] =	wrdreg s2  }
0xb0: {  	[dreg:$0x4] =	wrdreg $0xA8000  }
0xb1: {  	[dreg:$0x5] =	wrdreg $0x9  }
0xb2: {  	_ =	task.clear_ibuf [dreg:s7], $0x6FFFF;
	_ =	strace $0x90000046  }
0xb3: {  	s29 =	simm.s32 $0x9;
	_ =	strace $0x80000048  }
0xb4: {  	_ =	swait.ge [sflag:s29], $0x1  }
0xb5: {  	[sflag:s29] =	ssyncadd.s32 $0xFFFFFFFF  }
0xb6: {  	_ =	strace $0x90000048  }
0xb7: {  	_ =	sfence  }
0xb8: {  	s30 =	sld [smem:$0x0];
	_ =	sdelay $0x2  }
0xb9: {  	s31 =	sshll.u32 s1, $0xD;
	s1 =	sshrl.u32 s1, $0x2  }
0xba: {  	s3 =	sand.u32 $0x4000, s31;
	s1 =	sadd.s32 s1, s30  }
0xbb: {  	s0 =	sor.u32 s3, s0;
	s1 =	sshll.u32 s1, $0x11  }
0xbc: {  	s0 =	sor.u32 s1, s0  }
0xbd: {  	s0 =	sadd.s32 $0x8F2B, s0  }
0xbe: {  	[sflag:s0] =	ssyncadd.remote.s32 $0x1  }
0xbf: {  	_ =	sfence.sel $0xFFFF  }
0xc0: {  	[dreg:$0x0] =	wrdreg $0xFFFFFFFF;
	(pc) =	sbr.abs _section_cstart, $3  }
0xc1: {  	[dreg:$0x1] =	wrdreg $0xFFFFFFFF  }
0xc2: {  	_ =	task.clear_ibuf [dreg:s7], $0x2FFFF;
	_ =	strace $0x9FFFFFFF  }
0xc3: {  	(tm) =	ssettm $0x7FFFFFFF  }
tec
execute0_lowered:
.L_overlay_start_1:
0x0: {  	(tag) =	ssettag $0x1  }
0x1: {  	s5 =	rddreg [dreg:$0x0]  }
0x2: {  	s2 =	rddreg [dreg:$0x1]  }
0x3: {  	s3 =	rddreg [dreg:$0x2]  }
0x4: {  	s0 =	rddreg [dreg:$0x3];
	s6 =	srdreg.scid  }
0x5: {  	s1 =	stileid.u32;
	s4 =	simm.s32 $0x0;
	s19 =	simm.s32 $0x1400  }
0x6: {  	s20 =	simm.s32 $0x80;
	s21 =	simm.s32 $0x2800;
	s22 =	simm.s32 $0x6800  }
0x7: {  	s23 =	simm.s32 $0x1;
	s24 =	simm.s32 $0x2;
	s7 =	smul.u32 $0x14800, s1  }
0x8: {  	s25 =	simm.s32 $0x0;
	s6 =	sand.u32 $0x1, s6;
	s10 =	smul.u32 $0x5000, s1  }
0x9: {  	[smem:$0x7FF] =	sst s4;
	s13 =	sadd.s32 $0x67E00, s5;
	s8 =	smul.u32 $0x148000, s6  }
0xa: {  	s14 =	sadd.s32 $0x53E00, s5;
	s9 =	smul.u32 $0x50000, s6;
	s6 =	ssub.s32 $0x2, s6  }
0xb: {  	s29 =	sshll.u32 s1, $0x6;
	_ =	strace $0x80000047;
	s11 =	sshrl.u32 s6, $0x1  }
0xc: {  	s17 =	sadd.s32 s7, s3;
	s8 =	sadd.s32 s7, s8;
	s16 =	ssub.s32 s6, s11  }
0xd: {  	s28 =	sadd.s32 s10, s9;
	s6 =	sor.u32 $0x1C03, s29;
	s17 =	sshrl.u32 s17, $0x3  }
0xe: {  	s8 =	sshrl.u32 s8, $0x3;
	s30 =	sshrl.u32 s28, $0x3;
	s16 =	smax.u32 s16, $0x1  }
0xf: {  	s15 =	sadd.s32 s8, s5;
	s31 =	sadd.s32 $0x280, s30;
	s7 =	sadd.s32 s13, s30  }
0x10: {  	s8 =	sadd.s32 s14, s30;
	s12 =	sadd.s32 $0x500, s30;
	s18 =	sadd.s32 $0x780, s30  }
0x11: {  	s5 =	sadd.s32 $0x1E00, s15;
	s9 =	sadd.s32 s13, s31;
	s10 =	sadd.s32 s14, s31  }
0x12: {  	s11 =	sadd.s32 s13, s12;
	s12 =	sadd.s32 s14, s12;
	s13 =	sadd.s32 s13, s18  }
0x13: {  	s14 =	sadd.s32 s14, s18;
	s15 =	sadd.s32 $0x7BE00, s15;
	s18 =	simm.s32 $0x3  }
.LBB2_1:
0x14: {  	[spmem:s17], [sflag:s6] =	dma.local [hbm:s5], $0x2900  }
0x15: {  	_ =	swait.ge [sflag:s18], $0x2900  }
0x16: {  	[sflag:s18] =	ssyncset.done $0x0  }
0x17: {  	[sflag:s18] =	ssyncadd.s32 $0xFFFFD700  }
0x18: {  	[bflag:$0x0] =	sbarrier.arrive $0xFFFF  }
0x19: {  	[tilespmem:s4], [sflag:$0x3] =	stream.linear.gather [hbm4b:s7+s4], $0x1400, $0x38;
	[tilespmem:$0x1F000] =	vst v63  }
0x1a: {  	_ =	swait.ge [sflag:s18], $0x1400  }
0x1b: {  	[sflag:s18] =	ssyncset.done $0x0  }
0x1c: {  	[sflag:s18] =	ssyncadd.s32 $0xFFFFEC00  }
0x1d: {  	[tilespmem:s19], [sflag:$0x3] =	stream.linear.gather [hbm4b:s8+s4], $0x1400, $0x38;
	[tilespmem:$0x1F000] =	vst v63  }
0x1e: {  	_ =	swait.ge [sflag:s18], $0x1400  }
0x1f: {  	[sflag:s18] =	ssyncset.done $0x0  }
0x20: {  	s26 =	simm.s32 $0x0;
	[sflag:s18] =	ssyncadd.s32 $0xFFFFEC00  }
0x21: {  	[tilespmem:s21], [sflag:$0x1] =	stream.indirect.gather [hbm4b:s2+s20], $0x80, s26, s20, $0xb8;
	[tilespmem:$0x1F000] =	vst v63  }
0x22: {  	s29 =	simm.s32 $0x80  }
0x23: {  	[tilespmem:s22], [sflag:$0x2] =	stream.indirect.gather [hbm4b:s2+s20], $0x80, s29, s20, $0xb8;
	[tilespmem:$0x1F000] =	vst v63  }
0x24: {  	_ =	swait.ge [sflag:s23], $0x4000  }
0x25: {  	[sflag:s23] =	ssyncset.done $0x0  }
0x26: {  	s30 =	simm.s32 $0x1400;
	[sflag:s23] =	ssyncadd.s32 $0xFFFFC000  }
0x27: {  	[spmem:s3] =	stream.indirect.scatter.add.f32 [tilespmem:s21], [sflag:$0x3], $0x80, s30, s20, $0xb8;
	[tilespmem:$0x1F000] =	vst v63  }
0x28: {  	_ =	swait.ge [sflag:s18], $0x4000  }
0x29: {  	[sflag:s18] =	ssyncset.done $0x0  }
0x2a: {  	[sflag:s18] =	ssyncadd.s32 $0xFFFFC000  }
0x2b: {  	_ =	swait.ge [sflag:s24], $0x4000  }
0x2c: {  	[sflag:s24] =	ssyncset.done $0x0  }
0x2d: {  	s31 =	simm.s32 $0x1480;
	[sflag:s24] =	ssyncadd.s32 $0xFFFFC000  }
0x2e: {  	[spmem:s3] =	stream.indirect.scatter.add.f32 [tilespmem:s22], [sflag:$0x3], $0x80, s31, s20, $0xb8;
	[tilespmem:$0x1F000] =	vst v63  }
0x2f: {  	_ =	swait.ge [sflag:s18], $0x4000  }
0x30: {  	s28 =	simm.s32 $0x800;
	s26 =	simm.s32 $0x400;
	[sflag:s18] =	ssyncset.done $0x0  }
.LBB2_2:
0x31: {  	s29 =	sshra.s32 s26, $0x2  }
0x32: {  	[sflag:s18] =	ssyncadd.s32 $0xFFFFC000;
	s26 =	smov.u32 s28;
	s30 =	sadd.s32 $0x400, s28  }
0x33: {  	[tilespmem:s21], [sflag:$0x1] =	stream.indirect.gather [hbm4b:s2+s20], $0x80, s29, s20, $0xb8;
	[tilespmem:$0x1F000] =	vst v63  }
0x34: {  	p0 =	sne.s32 s28, $0x4C00;
	s28 =	sadd.s32 $0x80, s29  }
0x35: {  	[tilespmem:s22], [sflag:$0x2] =	stream.indirect.gather [hbm4b:s2+s20], $0x80, s28, s20, $0xb8;
	[tilespmem:$0x1F000] =	vst v63  }
0x36: {  	_ =	swait.ge [sflag:s23], $0x4000  }
0x37: {  	[sflag:s23] =	ssyncset.done $0x0  }
0x38: {  	s28 =	sadd.s32 $0x1400, s29;
	[sflag:s23] =	ssyncadd.s32 $0xFFFFC000  }
0x39: {  	[spmem:s3] =	stream.indirect.scatter.add.f32 [tilespmem:s21], [sflag:$0x3], $0x80, s28, s20, $0xb8;
	[tilespmem:$0x1F000] =	vst v63  }
0x3a: {  	_ =	swait.ge [sflag:s18], $0x4000  }
0x3b: {  	[sflag:s18] =	ssyncset.done $0x0  }
0x3c: {  	[sflag:s18] =	ssyncadd.s32 $0xFFFFC000  }
0x3d: {  	_ =	swait.ge [sflag:s24], $0x4000  }
.Ltmp0:
0x3e: {  	[sflag:s24] =	ssyncset.done $0x0;
	(pc) =	sbr.rel @p0 .LBB2_2-.Ltmp0, $4  }
0x3f: {  	s28 =	sadd.s32 $0x1480, s29;
	[sflag:s24] =	ssyncadd.s32 $0xFFFFC000  }
0x40: {  	[spmem:s3] =	stream.indirect.scatter.add.f32 [tilespmem:s22], [sflag:$0x3], $0x80, s28, s20, $0xb8;
	[tilespmem:$0x1F000] =	vst v63  }
0x41: {  	_ =	swait.ge [sflag:s18], $0x4000  }
0x42: {  	s28 =	smov.u32 s30;
	[sflag:s18] =	ssyncset.done $0x0  }
0x43: {  	s26 =	sshra.s32 s26, $0x2;
	[sflag:s18] =	ssyncadd.s32 $0xFFFFC000  }
0x44: {  	[tilespmem:s21], [sflag:$0x1] =	stream.indirect.gather [hbm4b:s2+s20], $0x80, s26, s20, $0xb8;
	[tilespmem:$0x1F000] =	vst v63  }
0x45: {  	s28 =	sadd.s32 $0x80, s26  }
0x46: {  	[tilespmem:s22], [sflag:$0x2] =	stream.indirect.gather [hbm4b:s2+s20], $0x80, s28, s20, $0xb8;
	[tilespmem:$0x1F000] =	vst v63  }
0x47: {  	_ =	swait.ge [sflag:s23], $0x4000  }
0x48: {  	[sflag:s23] =	ssyncset.done $0x0  }
0x49: {  	s28 =	sadd.s32 $0x1400, s26;
	[sflag:s23] =	ssyncadd.s32 $0xFFFFC000  }
0x4a: {  	[spmem:s3] =	stream.indirect.scatter.add.f32 [tilespmem:s21], [sflag:$0x3], $0x80, s28, s20, $0xb8;
	[tilespmem:$0x1F000] =	vst v63  }
0x4b: {  	_ =	swait.ge [sflag:s18], $0x4000  }
0x4c: {  	[sflag:s18] =	ssyncset.done $0x0  }
0x4d: {  	[sflag:s18] =	ssyncadd.s32 $0xFFFFC000  }
0x4e: {  	_ =	swait.ge [sflag:s24], $0x4000  }
0x4f: {  	[sflag:s24] =	ssyncset.done $0x0  }
0x50: {  	s26 =	sadd.s32 $0x1480, s26;
	[sflag:s24] =	ssyncadd.s32 $0xFFFFC000  }
0x51: {  	[spmem:s3] =	stream.indirect.scatter.add.f32 [tilespmem:s22], [sflag:$0x3], $0x80, s26, s20, $0xb8;
	[tilespmem:$0x1F000] =	vst v63  }
0x52: {  	_ =	swait.ge [sflag:s18], $0x4000  }
0x53: {  	[sflag:s18] =	ssyncset.done $0x0  }
0x54: {  	s30 =	simm.s32 $0x0;
	[sflag:s18] =	ssyncadd.s32 $0xFFFFC000  }
0x55: {  	[tilespmem:s30], [sflag:$0x3] =	stream.linear.gather [hbm4b:s9+s30], $0x1400, $0x38;
	[tilespmem:$0x1F000] =	vst v63  }
0x56: {  	_ =	swait.ge [sflag:s18], $0x1400  }
0x57: {  	[sflag:s18] =	ssyncset.done $0x0  }
0x58: {  	[sflag:s18] =	ssyncadd.s32 $0xFFFFEC00  }
0x59: {  	[tilespmem:s19], [sflag:$0x3] =	stream.linear.gather [hbm4b:s10+s30], $0x1400, $0x38;
	[tilespmem:$0x1F000] =	vst v63  }
0x5a: {  	_ =	swait.ge [sflag:s18], $0x1400  }
0x5b: {  	[sflag:s18] =	ssyncset.done $0x0  }
0x5c: {  	s31 =	simm.s32 $0x0;
	[sflag:s18] =	ssyncadd.s32 $0xFFFFEC00  }
0x5d: {  	[tilespmem:s21], [sflag:$0x1] =	stream.indirect.gather [hbm4b:s2+s20], $0x80, s31, s20, $0xb8;
	[tilespmem:$0x1F000] =	vst v63  }
0x5e: {  	s29 =	simm.s32 $0x80  }
0x5f: {  	[tilespmem:s22], [sflag:$0x2] =	stream.indirect.gather [hbm4b:s2+s20], $0x80, s29, s20, $0xb8;
	[tilespmem:$0x1F000] =	vst v63  }
0x60: {  	_ =	swait.ge [sflag:s23], $0x4000  }
0x61: {  	[sflag:s23] =	ssyncset.done $0x0  }
0x62: {  	s30 =	simm.s32 $0x1400;
	[sflag:s23] =	ssyncadd.s32 $0xFFFFC000  }
0x63: {  	[spmem:s3] =	stream.indirect.scatter.add.f32 [tilespmem:s21], [sflag:$0x3], $0x80, s30, s20, $0xb8;
	[tilespmem:$0x1F000] =	vst v63  }
0x64: {  	_ =	swait.ge [sflag:s18], $0x4000  }
0x65: {  	[sflag:s18] =	ssyncset.done $0x0  }
0x66: {  	[sflag:s18] =	ssyncadd.s32 $0xFFFFC000  }
0x67: {  	_ =	swait.ge [sflag:s24], $0x4000  }
0x68: {  	[sflag:s24] =	ssyncset.done $0x0  }
0x69: {  	s31 =	simm.s32 $0x1480;
	[sflag:s24] =	ssyncadd.s32 $0xFFFFC000  }
0x6a: {  	[spmem:s3] =	stream.indirect.scatter.add.f32 [tilespmem:s22], [sflag:$0x3], $0x80, s31, s20, $0xb8;
	[tilespmem:$0x1F000] =	vst v63  }
0x6b: {  	_ =	swait.ge [sflag:s18], $0x4000  }
0x6c: {  	s28 =	simm.s32 $0x800;
	s26 =	simm.s32 $0x400;
	[sflag:s18] =	ssyncset.done $0x0  }
.LBB2_4:
0x6d: {  	s29 =	sshra.s32 s26, $0x2  }
0x6e: {  	[sflag:s18] =	ssyncadd.s32 $0xFFFFC000;
	s26 =	smov.u32 s28;
	s30 =	sadd.s32 $0x400, s28  }
0x6f: {  	[tilespmem:s21], [sflag:$0x1] =	stream.indirect.gather [hbm4b:s2+s20], $0x80, s29, s20, $0xb8;
	[tilespmem:$0x1F000] =	vst v63  }
0x70: {  	p0 =	sne.s32 s28, $0x4C00;
	s28 =	sadd.s32 $0x80, s29  }
0x71: {  	[tilespmem:s22], [sflag:$0x2] =	stream.indirect.gather [hbm4b:s2+s20], $0x80, s28, s20, $0xb8;
	[tilespmem:$0x1F000] =	vst v63  }
0x72: {  	_ =	swait.ge [sflag:s23], $0x4000  }
0x73: {  	[sflag:s23] =	ssyncset.done $0x0  }
0x74: {  	s28 =	sadd.s32 $0x1400, s29;
	[sflag:s23] =	ssyncadd.s32 $0xFFFFC000  }
0x75: {  	[spmem:s3] =	stream.indirect.scatter.add.f32 [tilespmem:s21], [sflag:$0x3], $0x80, s28, s20, $0xb8;
	[tilespmem:$0x1F000] =	vst v63  }
0x76: {  	_ =	swait.ge [sflag:s18], $0x4000  }
0x77: {  	[sflag:s18] =	ssyncset.done $0x0  }
0x78: {  	[sflag:s18] =	ssyncadd.s32 $0xFFFFC000  }
0x79: {  	_ =	swait.ge [sflag:s24], $0x4000  }
.Ltmp1:
0x7a: {  	[sflag:s24] =	ssyncset.done $0x0;
	(pc) =	sbr.rel @p0 .LBB2_4-.Ltmp1, $4  }
0x7b: {  	s28 =	sadd.s32 $0x1480, s29;
	[sflag:s24] =	ssyncadd.s32 $0xFFFFC000  }
0x7c: {  	[spmem:s3] =	stream.indirect.scatter.add.f32 [tilespmem:s22], [sflag:$0x3], $0x80, s28, s20, $0xb8;
	[tilespmem:$0x1F000] =	vst v63  }
0x7d: {  	_ =	swait.ge [sflag:s18], $0x4000  }
0x7e: {  	s28 =	smov.u32 s30;
	[sflag:s18] =	ssyncset.done $0x0  }
0x7f: {  	s26 =	sshra.s32 s26, $0x2;
	[sflag:s18] =	ssyncadd.s32 $0xFFFFC000  }
0x80: {  	[tilespmem:s21], [sflag:$0x1] =	stream.indirect.gather [hbm4b:s2+s20], $0x80, s26, s20, $0xb8;
	[tilespmem:$0x1F000] =	vst v63  }
0x81: {  	s28 =	sadd.s32 $0x80, s26  }
0x82: {  	[tilespmem:s22], [sflag:$0x2] =	stream.indirect.gather [hbm4b:s2+s20], $0x80, s28, s20, $0xb8;
	[tilespmem:$0x1F000] =	vst v63  }
0x83: {  	_ =	swait.ge [sflag:s23], $0x4000  }
0x84: {  	[sflag:s23] =	ssyncset.done $0x0  }
0x85: {  	s28 =	sadd.s32 $0x1400, s26;
	[sflag:s23] =	ssyncadd.s32 $0xFFFFC000  }
0x86: {  	[spmem:s3] =	stream.indirect.scatter.add.f32 [tilespmem:s21], [sflag:$0x3], $0x80, s28, s20, $0xb8;
	[tilespmem:$0x1F000] =	vst v63  }
0x87: {  	_ =	swait.ge [sflag:s18], $0x4000  }
0x88: {  	[sflag:s18] =	ssyncset.done $0x0  }
0x89: {  	[sflag:s18] =	ssyncadd.s32 $0xFFFFC000  }
0x8a: {  	_ =	swait.ge [sflag:s24], $0x4000  }
0x8b: {  	[sflag:s24] =	ssyncset.done $0x0  }
0x8c: {  	s26 =	sadd.s32 $0x1480, s26;
	[sflag:s24] =	ssyncadd.s32 $0xFFFFC000  }
0x8d: {  	[spmem:s3] =	stream.indirect.scatter.add.f32 [tilespmem:s22], [sflag:$0x3], $0x80, s26, s20, $0xb8;
	[tilespmem:$0x1F000] =	vst v63  }
0x8e: {  	_ =	swait.ge [sflag:s18], $0x4000  }
0x8f: {  	[sflag:s18] =	ssyncset.done $0x0  }
0x90: {  	s30 =	simm.s32 $0x0;
	[sflag:s18] =	ssyncadd.s32 $0xFFFFC000  }
0x91: {  	[tilespmem:s30], [sflag:$0x3] =	stream.linear.gather [hbm4b:s11+s30], $0x1400, $0x38;
	[tilespmem:$0x1F000] =	vst v63  }
0x92: {  	_ =	swait.ge [sflag:s18], $0x1400  }
0x93: {  	[sflag:s18] =	ssyncset.done $0x0  }
0x94: {  	[sflag:s18] =	ssyncadd.s32 $0xFFFFEC00  }
0x95: {  	[tilespmem:s19], [sflag:$0x3] =	stream.linear.gather [hbm4b:s12+s30], $0x1400, $0x38;
	[tilespmem:$0x1F000] =	vst v63  }
0x96: {  	_ =	swait.ge [sflag:s18], $0x1400  }
0x97: {  	[sflag:s18] =	ssyncset.done $0x0  }
0x98: {  	s31 =	simm.s32 $0x0;
	[sflag:s18] =	ssyncadd.s32 $0xFFFFEC00  }
0x99: {  	[tilespmem:s21], [sflag:$0x1] =	stream.indirect.gather [hbm4b:s2+s20], $0x80, s31, s20, $0xb8;
	[tilespmem:$0x1F000] =	vst v63  }
0x9a: {  	s29 =	simm.s32 $0x80  }
0x9b: {  	[tilespmem:s22], [sflag:$0x2] =	stream.indirect.gather [hbm4b:s2+s20], $0x80, s29, s20, $0xb8;
	[tilespmem:$0x1F000] =	vst v63  }
0x9c: {  	_ =	swait.ge [sflag:s23], $0x4000  }
0x9d: {  	[sflag:s23] =	ssyncset.done $0x0  }
0x9e: {  	s30 =	simm.s32 $0x1400;
	[sflag:s23] =	ssyncadd.s32 $0xFFFFC000  }
0x9f: {  	[spmem:s3] =	stream.indirect.scatter.add.f32 [tilespmem:s21], [sflag:$0x3], $0x80, s30, s20, $0xb8;
	[tilespmem:$0x1F000] =	vst v63  }
0xa0: {  	_ =	swait.ge [sflag:s18], $0x4000  }
0xa1: {  	[sflag:s18] =	ssyncset.done $0x0  }
0xa2: {  	[sflag:s18] =	ssyncadd.s32 $0xFFFFC000  }
0xa3: {  	_ =	swait.ge [sflag:s24], $0x4000  }
0xa4: {  	[sflag:s24] =	ssyncset.done $0x0  }
0xa5: {  	s31 =	simm.s32 $0x1480;
	[sflag:s24] =	ssyncadd.s32 $0xFFFFC000  }
0xa6: {  	[spmem:s3] =	stream.indirect.scatter.add.f32 [tilespmem:s22], [sflag:$0x3], $0x80, s31, s20, $0xb8;
	[tilespmem:$0x1F000] =	vst v63  }
0xa7: {  	_ =	swait.ge [sflag:s18], $0x4000  }
0xa8: {  	s28 =	simm.s32 $0x800;
	s26 =	simm.s32 $0x400;
	[sflag:s18] =	ssyncset.done $0x0  }
.LBB2_6:
0xa9: {  	s29 =	sshra.s32 s26, $0x2  }
0xaa: {  	[sflag:s18] =	ssyncadd.s32 $0xFFFFC000;
	s26 =	smov.u32 s28;
	s30 =	sadd.s32 $0x400, s28  }
0xab: {  	[tilespmem:s21], [sflag:$0x1] =	stream.indirect.gather [hbm4b:s2+s20], $0x80, s29, s20, $0xb8;
	[tilespmem:$0x1F000] =	vst v63  }
0xac: {  	p0 =	sne.s32 s28, $0x4C00;
	s28 =	sadd.s32 $0x80, s29  }
0xad: {  	[tilespmem:s22], [sflag:$0x2] =	stream.indirect.gather [hbm4b:s2+s20], $0x80, s28, s20, $0xb8;
	[tilespmem:$0x1F000] =	vst v63  }
0xae: {  	_ =	swait.ge [sflag:s23], $0x4000  }
0xaf: {  	[sflag:s23] =	ssyncset.done $0x0  }
0xb0: {  	s28 =	sadd.s32 $0x1400, s29;
	[sflag:s23] =	ssyncadd.s32 $0xFFFFC000  }
0xb1: {  	[spmem:s3] =	stream.indirect.scatter.add.f32 [tilespmem:s21], [sflag:$0x3], $0x80, s28, s20, $0xb8;
	[tilespmem:$0x1F000] =	vst v63  }
0xb2: {  	_ =	swait.ge [sflag:s18], $0x4000  }
0xb3: {  	[sflag:s18] =	ssyncset.done $0x0  }
0xb4: {  	[sflag:s18] =	ssyncadd.s32 $0xFFFFC000  }
0xb5: {  	_ =	swait.ge [sflag:s24], $0x4000  }
.Ltmp2:
0xb6: {  	[sflag:s24] =	ssyncset.done $0x0;
	(pc) =	sbr.rel @p0 .LBB2_6-.Ltmp2, $4  }
0xb7: {  	s28 =	sadd.s32 $0x1480, s29;
	[sflag:s24] =	ssyncadd.s32 $0xFFFFC000  }
0xb8: {  	[spmem:s3] =	stream.indirect.scatter.add.f32 [tilespmem:s22], [sflag:$0x3], $0x80, s28, s20, $0xb8;
	[tilespmem:$0x1F000] =	vst v63  }
0xb9: {  	_ =	swait.ge [sflag:s18], $0x4000  }
0xba: {  	s28 =	smov.u32 s30;
	[sflag:s18] =	ssyncset.done $0x0  }
0xbb: {  	s26 =	sshra.s32 s26, $0x2;
	[sflag:s18] =	ssyncadd.s32 $0xFFFFC000  }
0xbc: {  	[tilespmem:s21], [sflag:$0x1] =	stream.indirect.gather [hbm4b:s2+s20], $0x80, s26, s20, $0xb8;
	[tilespmem:$0x1F000] =	vst v63  }
0xbd: {  	s28 =	sadd.s32 $0x80, s26  }
0xbe: {  	[tilespmem:s22], [sflag:$0x2] =	stream.indirect.gather [hbm4b:s2+s20], $0x80, s28, s20, $0xb8;
	[tilespmem:$0x1F000] =	vst v63  }
0xbf: {  	_ =	swait.ge [sflag:s23], $0x4000  }
0xc0: {  	[sflag:s23] =	ssyncset.done $0x0  }
0xc1: {  	s28 =	sadd.s32 $0x1400, s26;
	[sflag:s23] =	ssyncadd.s32 $0xFFFFC000  }
0xc2: {  	[spmem:s3] =	stream.indirect.scatter.add.f32 [tilespmem:s21], [sflag:$0x3], $0x80, s28, s20, $0xb8;
	[tilespmem:$0x1F000] =	vst v63  }
0xc3: {  	_ =	swait.ge [sflag:s18], $0x4000  }
0xc4: {  	[sflag:s18] =	ssyncset.done $0x0  }
0xc5: {  	[sflag:s18] =	ssyncadd.s32 $0xFFFFC000  }
0xc6: {  	_ =	swait.ge [sflag:s24], $0x4000  }
0xc7: {  	[sflag:s24] =	ssyncset.done $0x0  }
0xc8: {  	s26 =	sadd.s32 $0x1480, s26;
	[sflag:s24] =	ssyncadd.s32 $0xFFFFC000  }
0xc9: {  	[spmem:s3] =	stream.indirect.scatter.add.f32 [tilespmem:s22], [sflag:$0x3], $0x80, s26, s20, $0xb8;
	[tilespmem:$0x1F000] =	vst v63  }
0xca: {  	_ =	swait.ge [sflag:s18], $0x4000  }
0xcb: {  	[sflag:s18] =	ssyncset.done $0x0  }
0xcc: {  	s30 =	simm.s32 $0x0;
	[sflag:s18] =	ssyncadd.s32 $0xFFFFC000  }
0xcd: {  	[tilespmem:s30], [sflag:$0x3] =	stream.linear.gather [hbm4b:s13+s30], $0x1400, $0x38;
	[tilespmem:$0x1F000] =	vst v63  }
0xce: {  	_ =	swait.ge [sflag:s18], $0x1400  }
0xcf: {  	[sflag:s18] =	ssyncset.done $0x0  }
0xd0: {  	[sflag:s18] =	ssyncadd.s32 $0xFFFFEC00  }
0xd1: {  	[tilespmem:s19], [sflag:$0x3] =	stream.linear.gather [hbm4b:s14+s30], $0x1400, $0x38;
	[tilespmem:$0x1F000] =	vst v63  }
0xd2: {  	_ =	swait.ge [sflag:s18], $0x1400  }
0xd3: {  	[sflag:s18] =	ssyncset.done $0x0  }
0xd4: {  	s31 =	simm.s32 $0x0;
	[sflag:s18] =	ssyncadd.s32 $0xFFFFEC00  }
0xd5: {  	[tilespmem:s21], [sflag:$0x1] =	stream.indirect.gather [hbm4b:s2+s20], $0x80, s31, s20, $0xb8;
	[tilespmem:$0x1F000] =	vst v63  }
0xd6: {  	s29 =	simm.s32 $0x80  }
0xd7: {  	[tilespmem:s22], [sflag:$0x2] =	stream.indirect.gather [hbm4b:s2+s20], $0x80, s29, s20, $0xb8;
	[tilespmem:$0x1F000] =	vst v63  }
0xd8: {  	_ =	swait.ge [sflag:s23], $0x4000  }
0xd9: {  	[sflag:s23] =	ssyncset.done $0x0  }
0xda: {  	s30 =	simm.s32 $0x1400;
	[sflag:s23] =	ssyncadd.s32 $0xFFFFC000  }
0xdb: {  	[spmem:s3] =	stream.indirect.scatter.add.f32 [tilespmem:s21], [sflag:$0x3], $0x80, s30, s20, $0xb8;
	[tilespmem:$0x1F000] =	vst v63  }
0xdc: {  	_ =	swait.ge [sflag:s18], $0x4000  }
0xdd: {  	[sflag:s18] =	ssyncset.done $0x0  }
0xde: {  	[sflag:s18] =	ssyncadd.s32 $0xFFFFC000  }
0xdf: {  	_ =	swait.ge [sflag:s24], $0x4000  }
0xe0: {  	[sflag:s24] =	ssyncset.done $0x0  }
0xe1: {  	s31 =	simm.s32 $0x1480;
	[sflag:s24] =	ssyncadd.s32 $0xFFFFC000  }
0xe2: {  	[spmem:s3] =	stream.indirect.scatter.add.f32 [tilespmem:s22], [sflag:$0x3], $0x80, s31, s20, $0xb8;
	[tilespmem:$0x1F000] =	vst v63  }
0xe3: {  	_ =	swait.ge [sflag:s18], $0x4000  }
0xe4: {  	s28 =	simm.s32 $0x800;
	s26 =	simm.s32 $0x400;
	[sflag:s18] =	ssyncset.done $0x0  }
.LBB2_8:
0xe5: {  	s29 =	sshra.s32 s26, $0x2  }
0xe6: {  	[sflag:s18] =	ssyncadd.s32 $0xFFFFC000;
	s26 =	smov.u32 s28;
	s30 =	sadd.s32 $0x400, s28  }
0xe7: {  	[tilespmem:s21], [sflag:$0x1] =	stream.indirect.gather [hbm4b:s2+s20], $0x80, s29, s20, $0xb8;
	[tilespmem:$0x1F000] =	vst v63  }
0xe8: {  	p0 =	sne.s32 s28, $0x4C00;
	s28 =	sadd.s32 $0x80, s29  }
0xe9: {  	[tilespmem:s22], [sflag:$0x2] =	stream.indirect.gather [hbm4b:s2+s20], $0x80, s28, s20, $0xb8;
	[tilespmem:$0x1F000] =	vst v63  }
0xea: {  	_ =	swait.ge [sflag:s23], $0x4000  }
0xeb: {  	[sflag:s23] =	ssyncset.done $0x0  }
0xec: {  	s28 =	sadd.s32 $0x1400, s29;
	[sflag:s23] =	ssyncadd.s32 $0xFFFFC000  }
0xed: {  	[spmem:s3] =	stream.indirect.scatter.add.f32 [tilespmem:s21], [sflag:$0x3], $0x80, s28, s20, $0xb8;
	[tilespmem:$0x1F000] =	vst v63  }
0xee: {  	_ =	swait.ge [sflag:s18], $0x4000  }
0xef: {  	[sflag:s18] =	ssyncset.done $0x0  }
0xf0: {  	[sflag:s18] =	ssyncadd.s32 $0xFFFFC000  }
0xf1: {  	_ =	swait.ge [sflag:s24], $0x4000  }
.Ltmp3:
0xf2: {  	[sflag:s24] =	ssyncset.done $0x0;
	(pc) =	sbr.rel @p0 .LBB2_8-.Ltmp3, $4  }
0xf3: {  	s28 =	sadd.s32 $0x1480, s29;
	[sflag:s24] =	ssyncadd.s32 $0xFFFFC000  }
0xf4: {  	[spmem:s3] =	stream.indirect.scatter.add.f32 [tilespmem:s22], [sflag:$0x3], $0x80, s28, s20, $0xb8;
	[tilespmem:$0x1F000] =	vst v63  }
0xf5: {  	_ =	swait.ge [sflag:s18], $0x4000  }
0xf6: {  	s28 =	smov.u32 s30;
	[sflag:s18] =	ssyncset.done $0x0  }
0xf7: {  	s26 =	sshra.s32 s26, $0x2;
	[sflag:s18] =	ssyncadd.s32 $0xFFFFC000  }
0xf8: {  	[tilespmem:s21], [sflag:$0x1] =	stream.indirect.gather [hbm4b:s2+s20], $0x80, s26, s20, $0xb8;
	[tilespmem:$0x1F000] =	vst v63  }
0xf9: {  	s28 =	sadd.s32 $0x80, s26  }
0xfa: {  	[tilespmem:s22], [sflag:$0x2] =	stream.indirect.gather [hbm4b:s2+s20], $0x80, s28, s20, $0xb8;
	[tilespmem:$0x1F000] =	vst v63  }
0xfb: {  	_ =	swait.ge [sflag:s23], $0x4000  }
0xfc: {  	[sflag:s23] =	ssyncset.done $0x0  }
0xfd: {  	s31 =	sadd.s32 $0x1400, s26;
	[sflag:s23] =	ssyncadd.s32 $0xFFFFC000  }
0xfe: {  	[spmem:s3] =	stream.indirect.scatter.add.f32 [tilespmem:s21], [sflag:$0x3], $0x80, s31, s20, $0xb8;
	[tilespmem:$0x1F000] =	vst v63  }
0xff: {  	_ =	swait.ge [sflag:s18], $0x4000  }
0x100: {  	[sflag:s18] =	ssyncset.done $0x0  }
0x101: {  	[sflag:s18] =	ssyncadd.s32 $0xFFFFC000  }
0x102: {  	_ =	swait.ge [sflag:s24], $0x4000  }
0x103: {  	[sflag:s24] =	ssyncset.done $0x0  }
0x104: {  	s26 =	sadd.s32 $0x1480, s26;
	[sflag:s24] =	ssyncadd.s32 $0xFFFFC000  }
0x105: {  	[spmem:s3] =	stream.indirect.scatter.add.f32 [tilespmem:s22], [sflag:$0x3], $0x80, s26, s20, $0xb8;
	[tilespmem:$0x1F000] =	vst v63  }
0x106: {  	_ =	swait.ge [sflag:s18], $0x4000  }
0x107: {  	s25 =	sadd.s32 $0x1, s25;
	[sflag:s18] =	ssyncset.done $0x0  }
0x108: {  	p0 =	sne.s32 s25, s16;
	[sflag:s18] =	ssyncadd.s32 $0xFFFFC000  }
.Ltmp4:
0x109: {  	[bflag:$0x0] =	sbarrier.arrive $0xFFFF;
	(pc) =	sbr.rel @p0 .LBB2_1-.Ltmp4, $4  }
0x10a: {  	[hbm:s15], [sflag:s6] =	dma.local [spmem:s17], $0x2900  }
0x10b: {  	_ =	swait.ge [sflag:s18], $0x2900  }
0x10c: {  	[sflag:s18] =	ssyncset.done $0x0  }
0x10d: {  	[sflag:s18] =	ssyncadd.s32 $0xFFFFD700  }
0x10e: {  	_ =	sfence.sel $0x180000  }
0x10f: {  	[bflag:$0x0] =	sbarrier.arrive $0xFFFF  }
0x110: {  	p0 =	sne.s32 s1, $0x0;
	_ =	strace $0x90000047  }
0x111: {  	s0 =	sadd.s32 @!p0 $0x100000, s0;
	[bflag:$0x2] =	sbarrier.arrive $0xFFFF  }
0x112: {  	[sflag:s0] =	ssyncadd.tile.s32 @!p0 $0x1;
	_ =	shalt  }
.Lfunc_end2:
_tile_overlayer_lowered:
.L_overlay_start_2:
0x113: {  	(tag) =	ssettag $0x2  }
0x114: {  	s0 =	rddreg [dreg:$0x0];
	s2 =	stileid.u32  }
0x115: {  	s1 =	rddreg [dreg:$0x1];
	p0 =	sne.s32 s2, $0x0  }
0x116: {  	s3 =	rddreg [dreg:$0x2];
	[bflag:$0x3] =	sbarrier.arrive $0xFFFF;
	s2 =	simm.s32 @!p0 $0x1C03  }
0x117: {  	[timem:s3], [sflag:s2] =	dma.local @!p0 [hbm:s0], s1  }
0x118: {  	s0 =	simm.s32 @!p0 $0x3  }
0x119: {  	_ =	swait.ge @!p0 [sflag:s0], s1  }
0x11a: {  	s1 =	ssub.s32 @!p0 $0x0, s1;
	[sflag:s0] =	ssyncset.done @!p0 $0x0  }
0x11b: {  	[sflag:s0] =	ssyncadd.s32 @!p0 s1  }
0x11c: {  	[bflag:$0x3] =	sbarrier.arrive $0xFFFF  }
0x11d: {  	_ =	shalt  }

</sc_bundles>
